<compile_context>
chip_gen: v7x
topology: tpu7x:2x2x1
jax: 0.10.2.dev20260603
libtpu: 0.0.44.dev20260713+nightly
codegen_flags: <defaults>
</compile_context>

<pallas_src>
import functools

import jax
import jax.numpy as jnp
from jax import lax
from jax.experimental import pallas as pl
from jax.experimental.pallas import tpu as pltpu
from jax.experimental.pallas import tpu_sc as plsc

SKIP = 2
DELAY = 4
DIM = 16

NC = 2
NS = 16
NW = NC * NS

CH = 15632
SLAB = 2 * CH + 80
E4L = CH + 32
BW = 32768


def _tde_body(n, pitch, per_w, ts_hbm, y_hbm, slab, e0, e1, e2, e3,
              sem_s, sem_o):
    e4 = [e0, e1, e2, e3]
    wid = lax.axis_index("s") * NC + lax.axis_index("c")
    lanes2 = jnp.arange(16, dtype=jnp.int32) * 2

    for gl in range(per_w):
        band = wid + NW * gl
        j0 = jnp.minimum(band * CH, pitch - CH)
        sa = jnp.minimum(2 * j0, n - SLAB)
        delta = (2 * j0 - sa).astype(jnp.int32)

        pltpu.async_copy(ts_hbm.at[pl.ds(sa, SLAB)], slab, sem_s).wait()

        for c in range(4):
            ec = e4[c]

            @plsc.parallel_loop(0, E4L // 16, 1, unroll=8)
            def _(m, _c=c, _ec=ec):
                gi = delta + 4 * _c + 32 * m + lanes2
                _ec[pl.ds(16 * m, 16)] = plsc.load_gather(
                    slab, [jnp.minimum(gi, SLAB - 1)]
                )

        descs = [
            pltpu.make_async_copy(
                e4[k % 4].at[pl.ds(8 * (k // 4), CH)],
                y_hbm.at[pl.ds(k * pitch + j0, CH)],
                sem_o,
            )
            for k in range(DIM)
        ]
        for d in descs:
            d.start()
        for d in descs:
            d.wait()


def _retile_body(pitch, y_any, o_ref, sem):
    i = pl.program_id(0)
    j0 = i * BW
    descs = [
        pltpu.make_async_copy(
            y_any.at[pl.ds(k * pitch + j0, BW)], o_ref.at[k], sem
        )
        for k in range(DIM)
    ]
    for d in descs:
        d.start()
    for d in descs:
        d.wait()


def kernel(timeSeries):
    n = timeSeries.shape[0]
    if n == 1:
        return timeSeries
    n_pts = (n - (DIM - 1) * DELAY) // SKIP
    pitch = ((n_pts + 127) // 128) * 128
    total = pitch * DIM
    n_bands = (pitch + CH - 1) // CH
    per_w = (n_bands + NW - 1) // NW

    mesh = plsc.VectorSubcoreMesh(
        core_axis_name="c", subcore_axis_name="s", num_cores=NC, num_subcores=NS
    )
    y_flat = pl.kernel(
        functools.partial(_tde_body, n, pitch, per_w),
        out_type=jax.ShapeDtypeStruct((total + BW,), jnp.float32),
        mesh=mesh,
        scratch_types=[
            pltpu.VMEM((SLAB,), jnp.float32),
            pltpu.VMEM((E4L,), jnp.float32),
            pltpu.VMEM((E4L,), jnp.float32),
            pltpu.VMEM((E4L,), jnp.float32),
            pltpu.VMEM((E4L,), jnp.float32),
            pltpu.SemaphoreType.DMA,
            pltpu.SemaphoreType.DMA,
        ],
        compiler_params=pltpu.CompilerParams(needs_layout_passes=False),
    )(timeSeries)

    out_t = pl.pallas_call(
        functools.partial(_retile_body, pitch),
        out_shape=jax.ShapeDtypeStruct((DIM, n_pts), jnp.float32),
        grid=((n_pts + BW - 1) // BW,),
        in_specs=[pl.BlockSpec(memory_space=pl.ANY)],
        out_specs=pl.BlockSpec((DIM, BW), lambda i: (0, i)),
        scratch_shapes=[pltpu.SemaphoreType.DMA],
    )(y_flat)
    return out_t.T

# --- scband reference (transcript-rebuilt; emitter-appended) ---
"""Pipeline reference for scband-tde-layer-one-87351044866353 (READ-ONLY COPY).

The authoritative reference and input builder live on the scoring server;
editing this copy changes nothing except your own understanding.
"""

import jax, jax.numpy as jnp
import numpy as np

SKIP = 2
DELAY = 4
DIMENSION = 16
N = 1000000


def setup_inputs(seed: int = 0) -> dict:
    key = jax.random.key(seed)
    timeSeries = jax.random.normal(key, (N,), dtype=jnp.float32)
    return {"timeSeries": timeSeries}


def reference(timeSeries):
    n = timeSeries.shape[0]
    if n == 1:
        return timeSeries
    numPts = (n - (DIMENSION - 1) * DELAY) // SKIP
    # idx[j, k] = j * skip + k * delay
    idx = jnp.arange(numPts, dtype=jnp.int32)[:, None] * SKIP + jnp.arange(DIMENSION, dtype=jnp.int32)[None, :] * DELAY
    X = jnp.take(timeSeries, idx, axis=0)
    return X

if __name__ == "__main__":
    import jax
    _d = setup_inputs()
    print(jax.jit(kernel)(*tuple(_d.values())))

</pallas_src>

<mosaic_0001>
#map = affine_map<(d0, d1) -> (0)>
module attributes {stable_mosaic.version = 14 : i64} {
  func.func @_tde_body(%arg0: i32, %arg1: i32, %arg2: memref<1000000xf32, #tpu.memory_space<hbm>>, %arg3: memref<8034304xf32, #tpu.memory_space<hbm>>, %arg4: memref<31344xf32, #tpu.memory_space<vmem>>, %arg5: memref<15664xf32, #tpu.memory_space<vmem>>, %arg6: memref<15664xf32, #tpu.memory_space<vmem>>, %arg7: memref<15664xf32, #tpu.memory_space<vmem>>, %arg8: memref<15664xf32, #tpu.memory_space<vmem>>, %arg9: memref<!tpu.dma_semaphore, #tpu.memory_space<semaphore_mem>>, %arg10: memref<!tpu.dma_semaphore, #tpu.memory_space<semaphore_mem>>) attributes {dimension_semantics = [#tpu.dimension_semantics<core_parallel>, #tpu.dimension_semantics<subcore_parallel>], iteration_bounds = array<i64: 2, 16>, scalar_prefetch = 0 : i64, scratch_operands = 7 : i64, tpu.core_type = #tpu.core_type<sc_vector_subcore>, window_params = [{transform_indices = #map}, {transform_indices = #map}]} {
    %mul3A = arith.constant 2 : i32
    %mul3A_0 = arith.muli %arg1, %mul3A : i32
    %add3A = arith.addi %mul3A_0, %arg0 : i32
    %iota3A = tpu.iota {dimensions = array<i32: 0>} : vector<16xi32>
    %mul3A_1 = arith.constant 2 : i32
    %mul3A_2 = vector.broadcast %mul3A_1 : i32 to vector<16xi32>
    %mul3A_3 = arith.muli %iota3A, %mul3A_2 : vector<16xi32>
    %add3A_4 = arith.constant 0 : i32
    %add3A_5 = arith.addi %add3A, %add3A_4 : i32
    %mul3A_6 = arith.constant 15632 : i32
    %mul3A_7 = arith.muli %add3A_5, %mul3A_6 : i32
    %min3A = arith.constant 484464 : i32
    %min3A_8 = arith.minsi %mul3A_7, %min3A : i32
    %mul3A_9 = arith.constant 2 : i32
    %mul3A_10 = arith.muli %mul3A_9, %min3A_8 : i32
    %min3A_11 = arith.constant 968656 : i32
    %min3A_12 = arith.minsi %mul3A_10, %min3A_11 : i32
    %mul3A_13 = arith.constant 2 : i32
    %mul3A_14 = arith.muli %mul3A_13, %min3A_8 : i32
    %sub3A = arith.subi %mul3A_14, %min3A_12 : i32
    %dma_start3A = tpu.memref_slice %arg2[%min3A_12] : memref<1000000xf32, #tpu.memory_space<hbm>> -> memref<31344xf32, #tpu.memory_space<hbm>>
    %dma_start3A_15 = tpu.memref_slice %arg2[%min3A_12] : memref<1000000xf32, #tpu.memory_space<hbm>> -> memref<31344xf32, #tpu.memory_space<hbm>>
    tpu.enqueue_dma source(%dma_start3A_15 : memref<31344xf32, #tpu.memory_space<hbm>>) target(%arg4 : memref<31344xf32, #tpu.memory_space<vmem>>) target_semaphore(%arg9 : memref<!tpu.dma_semaphore, #tpu.memory_space<semaphore_mem>>)
    %dma_wait3A = tpu.memref_slice %arg2[%min3A_12] : memref<1000000xf32, #tpu.memory_space<hbm>> -> memref<31344xf32, #tpu.memory_space<hbm>>
    %dma_wait3A_16 = tpu.memref_slice %arg2[%min3A_12] : memref<1000000xf32, #tpu.memory_space<hbm>> -> memref<31344xf32, #tpu.memory_space<hbm>>
    tpu.wait_dma2 semaphore(%arg9 : memref<!tpu.dma_semaphore, #tpu.memory_space<semaphore_mem>>) src(%dma_wait3A_16 : memref<31344xf32, #tpu.memory_space<hbm>>) dst(%arg4 : memref<31344xf32, #tpu.memory_space<vmem>>)
    %parallel_loop3A = arith.constant 0 : i32
    %parallel_loop3A_17 = arith.constant 979 : i32
    %parallel_loop3A_18 = arith.constant 1 : i32
    scf.for %parallel_loop3A_252 = %parallel_loop3A to %parallel_loop3A_17 step %parallel_loop3A_18  : i32 {
      %parallel_loop3A_253 = arith.constant 0 : i32
      %parallel_loop3A_254 = arith.addi %sub3A, %parallel_loop3A_253 : i32
      %parallel_loop3A_255 = arith.constant 32 : i32
      %parallel_loop3A_256 = arith.muli %parallel_loop3A_255, %parallel_loop3A_252 : i32
      %parallel_loop3A_257 = arith.addi %parallel_loop3A_254, %parallel_loop3A_256 : i32
      %parallel_loop3A_258 = vector.broadcast %parallel_loop3A_257 : i32 to vector<16xi32>
      %parallel_loop3A_259 = arith.addi %parallel_loop3A_258, %mul3A_3 : vector<16xi32>
      %parallel_loop3A_260 = arith.constant 31343 : i32
      %parallel_loop3A_261 = vector.broadcast %parallel_loop3A_260 : i32 to vector<16xi32>
      %parallel_loop3A_262 = arith.minsi %parallel_loop3A_259, %parallel_loop3A_261 : vector<16xi32>
      %parallel_loop3A_263 = tpu.vector_load_idx %arg4[%parallel_loop3A_262] : memref<31344xf32, #tpu.memory_space<vmem>>[vector<16xi32>], vector<16xf32>,
      %parallel_loop3A_264 = arith.constant 16 : i32
      %parallel_loop3A_265 = arith.muli %parallel_loop3A_264, %parallel_loop3A_252 : i32
      %parallel_loop3A_266 = arith.index_cast %parallel_loop3A_265 : i32 to index
      %parallel_loop3A_267 = tpu.vector_load %arg5[%parallel_loop3A_266] {strides = array<i32>} : memref<15664xf32, #tpu.memory_space<vmem>>, vector<16xf32>,
      tpu.vector_store %arg5[%parallel_loop3A_266], %parallel_loop3A_263 {strides = array<i32>} : memref<15664xf32, #tpu.memory_space<vmem>>, vector<16xf32>,
    } {sc.loop_unroll_factor = 8 : i64, sc.parallel_access}
    %parallel_loop3A_19 = arith.constant 0 : i32
    %parallel_loop3A_20 = arith.constant 979 : i32
    %parallel_loop3A_21 = arith.constant 1 : i32
    scf.for %parallel_loop3A_252 = %parallel_loop3A_19 to %parallel_loop3A_20 step %parallel_loop3A_21  : i32 {
      %parallel_loop3A_253 = arith.constant 4 : i32
      %parallel_loop3A_254 = arith.addi %sub3A, %parallel_loop3A_253 : i32
      %parallel_loop3A_255 = arith.constant 32 : i32
      %parallel_loop3A_256 = arith.muli %parallel_loop3A_255, %parallel_loop3A_252 : i32
      %parallel_loop3A_257 = arith.addi %parallel_loop3A_254, %parallel_loop3A_256 : i32
      %parallel_loop3A_258 = vector.broadcast %parallel_loop3A_257 : i32 to vector<16xi32>
      %parallel_loop3A_259 = arith.addi %parallel_loop3A_258, %mul3A_3 : vector<16xi32>
      %parallel_loop3A_260 = arith.constant 31343 : i32
      %parallel_loop3A_261 = vector.broadcast %parallel_loop3A_260 : i32 to vector<16xi32>
      %parallel_loop3A_262 = arith.minsi %parallel_loop3A_259, %parallel_loop3A_261 : vector<16xi32>
      %parallel_loop3A_263 = tpu.vector_load_idx %arg4[%parallel_loop3A_262] : memref<31344xf32, #tpu.memory_space<vmem>>[vector<16xi32>], vector<16xf32>,
      %parallel_loop3A_264 = arith.constant 16 : i32
      %parallel_loop3A_265 = arith.muli %parallel_loop3A_264, %parallel_loop3A_252 : i32
      %parallel_loop3A_266 = arith.index_cast %parallel_loop3A_265 : i32 to index
      %parallel_loop3A_267 = tpu.vector_load %arg6[%parallel_loop3A_266] {strides = array<i32>} : memref<15664xf32, #tpu.memory_space<vmem>>, vector<16xf32>,
      tpu.vector_store %arg6[%parallel_loop3A_266], %parallel_loop3A_263 {strides = array<i32>} : memref<15664xf32, #tpu.memory_space<vmem>>, vector<16xf32>,
    } {sc.loop_unroll_factor = 8 : i64, sc.parallel_access}
    %parallel_loop3A_22 = arith.constant 0 : i32
    %parallel_loop3A_23 = arith.constant 979 : i32
    %parallel_loop3A_24 = arith.constant 1 : i32
    scf.for %parallel_loop3A_252 = %parallel_loop3A_22 to %parallel_loop3A_23 step %parallel_loop3A_24  : i32 {
      %parallel_loop3A_253 = arith.constant 8 : i32
      %parallel_loop3A_254 = arith.addi %sub3A, %parallel_loop3A_253 : i32
      %parallel_loop3A_255 = arith.constant 32 : i32
      %parallel_loop3A_256 = arith.muli %parallel_loop3A_255, %parallel_loop3A_252 : i32
      %parallel_loop3A_257 = arith.addi %parallel_loop3A_254, %parallel_loop3A_256 : i32
      %parallel_loop3A_258 = vector.broadcast %parallel_loop3A_257 : i32 to vector<16xi32>
      %parallel_loop3A_259 = arith.addi %parallel_loop3A_258, %mul3A_3 : vector<16xi32>
      %parallel_loop3A_260 = arith.constant 31343 : i32
      %parallel_loop3A_261 = vector.broadcast %parallel_loop3A_260 : i32 to vector<16xi32>
      %parallel_loop3A_262 = arith.minsi %parallel_loop3A_259, %parallel_loop3A_261 : vector<16xi32>
      %parallel_loop3A_263 = tpu.vector_load_idx %arg4[%parallel_loop3A_262] : memref<31344xf32, #tpu.memory_space<vmem>>[vector<16xi32>], vector<16xf32>,
      %parallel_loop3A_264 = arith.constant 16 : i32
      %parallel_loop3A_265 = arith.muli %parallel_loop3A_264, %parallel_loop3A_252 : i32
      %parallel_loop3A_266 = arith.index_cast %parallel_loop3A_265 : i32 to index
      %parallel_loop3A_267 = tpu.vector_load %arg7[%parallel_loop3A_266] {strides = array<i32>} : memref<15664xf32, #tpu.memory_space<vmem>>, vector<16xf32>,
      tpu.vector_store %arg7[%parallel_loop3A_266], %parallel_loop3A_263 {strides = array<i32>} : memref<15664xf32, #tpu.memory_space<vmem>>, vector<16xf32>,
    } {sc.loop_unroll_factor = 8 : i64, sc.parallel_access}
    %parallel_loop3A_25 = arith.constant 0 : i32
    %parallel_loop3A_26 = arith.constant 979 : i32
    %parallel_loop3A_27 = arith.constant 1 : i32
    scf.for %parallel_loop3A_252 = %parallel_loop3A_25 to %parallel_loop3A_26 step %parallel_loop3A_27  : i32 {
      %parallel_loop3A_253 = arith.constant 12 : i32
      %parallel_loop3A_254 = arith.addi %sub3A, %parallel_loop3A_253 : i32
      %parallel_loop3A_255 = arith.constant 32 : i32
      %parallel_loop3A_256 = arith.muli %parallel_loop3A_255, %parallel_loop3A_252 : i32
      %parallel_loop3A_257 = arith.addi %parallel_loop3A_254, %parallel_loop3A_256 : i32
      %parallel_loop3A_258 = vector.broadcast %parallel_loop3A_257 : i32 to vector<16xi32>
      %parallel_loop3A_259 = arith.addi %parallel_loop3A_258, %mul3A_3 : vector<16xi32>
      %parallel_loop3A_260 = arith.constant 31343 : i32
      %parallel_loop3A_261 = vector.broadcast %parallel_loop3A_260 : i32 to vector<16xi32>
      %parallel_loop3A_262 = arith.minsi %parallel_loop3A_259, %parallel_loop3A_261 : vector<16xi32>
      %parallel_loop3A_263 = tpu.vector_load_idx %arg4[%parallel_loop3A_262] : memref<31344xf32, #tpu.memory_space<vmem>>[vector<16xi32>], vector<16xf32>,
      %parallel_loop3A_264 = arith.constant 16 : i32
      %parallel_loop3A_265 = arith.muli %parallel_loop3A_264, %parallel_loop3A_252 : i32
      %parallel_loop3A_266 = arith.index_cast %parallel_loop3A_265 : i32 to index
      %parallel_loop3A_267 = tpu.vector_load %arg8[%parallel_loop3A_266] {strides = array<i32>} : memref<15664xf32, #tpu.memory_space<vmem>>, vector<16xf32>,
      tpu.vector_store %arg8[%parallel_loop3A_266], %parallel_loop3A_263 {strides = array<i32>} : memref<15664xf32, #tpu.memory_space<vmem>>, vector<16xf32>,
    } {sc.loop_unroll_factor = 8 : i64, sc.parallel_access}
    %add3A_28 = arith.constant 0 : i32
    %add3A_29 = arith.addi %add3A_28, %min3A_8 : i32
    %add3A_30 = arith.constant 500096 : i32
    %add3A_31 = arith.addi %add3A_30, %min3A_8 : i32
    %add3A_32 = arith.constant 1000192 : i32
    %add3A_33 = arith.addi %add3A_32, %min3A_8 : i32
    %add3A_34 = arith.constant 1500288 : i32
    %add3A_35 = arith.addi %add3A_34, %min3A_8 : i32
    %add3A_36 = arith.constant 2000384 : i32
    %add3A_37 = arith.addi %add3A_36, %min3A_8 : i32
    %add3A_38 = arith.constant 2500480 : i32
    %add3A_39 = arith.addi %add3A_38, %min3A_8 : i32
    %add3A_40 = arith.constant 3000576 : i32
    %add3A_41 = arith.addi %add3A_40, %min3A_8 : i32
    %add3A_42 = arith.constant 3500672 : i32
    %add3A_43 = arith.addi %add3A_42, %min3A_8 : i32
    %add3A_44 = arith.constant 4000768 : i32
    %add3A_45 = arith.addi %add3A_44, %min3A_8 : i32
    %add3A_46 = arith.constant 4500864 : i32
    %add3A_47 = arith.addi %add3A_46, %min3A_8 : i32
    %add3A_48 = arith.constant 5000960 : i32
    %add3A_49 = arith.addi %add3A_48, %min3A_8 : i32
    %add3A_50 = arith.constant 5501056 : i32
    %add3A_51 = arith.addi %add3A_50, %min3A_8 : i32
    %add3A_52 = arith.constant 6001152 : i32
    %add3A_53 = arith.addi %add3A_52, %min3A_8 : i32
    %add3A_54 = arith.constant 6501248 : i32
    %add3A_55 = arith.addi %add3A_54, %min3A_8 : i32
    %add3A_56 = arith.constant 7001344 : i32
    %add3A_57 = arith.addi %add3A_56, %min3A_8 : i32
    %add3A_58 = arith.constant 7501440 : i32
    %add3A_59 = arith.addi %add3A_58, %min3A_8 : i32
    %dma_start3A_60 = arith.constant 0 : i32
    %dma_start3A_61 = tpu.memref_slice %arg5[%dma_start3A_60] : memref<15664xf32, #tpu.memory_space<vmem>> -> memref<15632xf32, #tpu.memory_space<vmem>>
    %dma_start3A_62 = tpu.memref_slice %arg3[%add3A_29] : memref<8034304xf32, #tpu.memory_space<hbm>> -> memref<15632xf32, #tpu.memory_space<hbm>>
    %dma_start3A_63 = tpu.memref_slice %arg3[%add3A_29] : memref<8034304xf32, #tpu.memory_space<hbm>> -> memref<15632xf32, #tpu.memory_space<hbm>>
    %dma_start3A_64 = arith.constant 0 : i32
    %dma_start3A_65 = tpu.memref_slice %arg5[%dma_start3A_64] : memref<15664xf32, #tpu.memory_space<vmem>> -> memref<15632xf32, #tpu.memory_space<vmem>>
    tpu.enqueue_dma source(%dma_start3A_65 : memref<15632xf32, #tpu.memory_space<vmem>>) target(%dma_start3A_63 : memref<15632xf32, #tpu.memory_space<hbm>>) target_semaphore(%arg10 : memref<!tpu.dma_semaphore, #tpu.memory_space<semaphore_mem>>)
    %dma_start3A_66 = arith.constant 0 : i32
    %dma_start3A_67 = tpu.memref_slice %arg6[%dma_start3A_66] : memref<15664xf32, #tpu.memory_space<vmem>> -> memref<15632xf32, #tpu.memory_space<vmem>>
    %dma_start3A_68 = tpu.memref_slice %arg3[%add3A_31] : memref<8034304xf32, #tpu.memory_space<hbm>> -> memref<15632xf32, #tpu.memory_space<hbm>>
    %dma_start3A_69 = tpu.memref_slice %arg3[%add3A_31] : memref<8034304xf32, #tpu.memory_space<hbm>> -> memref<15632xf32, #tpu.memory_space<hbm>>
    %dma_start3A_70 = arith.constant 0 : i32
    %dma_start3A_71 = tpu.memref_slice %arg6[%dma_start3A_70] : memref<15664xf32, #tpu.memory_space<vmem>> -> memref<15632xf32, #tpu.memory_space<vmem>>
    tpu.enqueue_dma source(%dma_start3A_71 : memref<15632xf32, #tpu.memory_space<vmem>>) target(%dma_start3A_69 : memref<15632xf32, #tpu.memory_space<hbm>>) target_semaphore(%arg10 : memref<!tpu.dma_semaphore, #tpu.memory_space<semaphore_mem>>)
    %dma_start3A_72 = arith.constant 0 : i32
    %dma_start3A_73 = tpu.memref_slice %arg7[%dma_start3A_72] : memref<15664xf32, #tpu.memory_space<vmem>> -> memref<15632xf32, #tpu.memory_space<vmem>>
    %dma_start3A_74 = tpu.memref_slice %arg3[%add3A_33] : memref<8034304xf32, #tpu.memory_space<hbm>> -> memref<15632xf32, #tpu.memory_space<hbm>>
    %dma_start3A_75 = tpu.memref_slice %arg3[%add3A_33] : memref<8034304xf32, #tpu.memory_space<hbm>> -> memref<15632xf32, #tpu.memory_space<hbm>>
    %dma_start3A_76 = arith.constant 0 : i32
    %dma_start3A_77 = tpu.memref_slice %arg7[%dma_start3A_76] : memref<15664xf32, #tpu.memory_space<vmem>> -> memref<15632xf32, #tpu.memory_space<vmem>>
    tpu.enqueue_dma source(%dma_start3A_77 : memref<15632xf32, #tpu.memory_space<vmem>>) target(%dma_start3A_75 : memref<15632xf32, #tpu.memory_space<hbm>>) target_semaphore(%arg10 : memref<!tpu.dma_semaphore, #tpu.memory_space<semaphore_mem>>)
    %dma_start3A_78 = arith.constant 0 : i32
    %dma_start3A_79 = tpu.memref_slice %arg8[%dma_start3A_78] : memref<15664xf32, #tpu.memory_space<vmem>> -> memref<15632xf32, #tpu.memory_space<vmem>>
    %dma_start3A_80 = tpu.memref_slice %arg3[%add3A_35] : memref<8034304xf32, #tpu.memory_space<hbm>> -> memref<15632xf32, #tpu.memory_space<hbm>>
    %dma_start3A_81 = tpu.memref_slice %arg3[%add3A_35] : memref<8034304xf32, #tpu.memory_space<hbm>> -> memref<15632xf32, #tpu.memory_space<hbm>>
    %dma_start3A_82 = arith.constant 0 : i32
    %dma_start3A_83 = tpu.memref_slice %arg8[%dma_start3A_82] : memref<15664xf32, #tpu.memory_space<vmem>> -> memref<15632xf32, #tpu.memory_space<vmem>>
    tpu.enqueue_dma source(%dma_start3A_83 : memref<15632xf32, #tpu.memory_space<vmem>>) target(%dma_start3A_81 : memref<15632xf32, #tpu.memory_space<hbm>>) target_semaphore(%arg10 : memref<!tpu.dma_semaphore, #tpu.memory_space<semaphore_mem>>)
    %dma_start3A_84 = arith.constant 8 : i32
    %dma_start3A_85 = tpu.memref_slice %arg5[%dma_start3A_84] : memref<15664xf32, #tpu.memory_space<vmem>> -> memref<15632xf32, #tpu.memory_space<vmem>>
    %dma_start3A_86 = tpu.memref_slice %arg3[%add3A_37] : memref<8034304xf32, #tpu.memory_space<hbm>> -> memref<15632xf32, #tpu.memory_space<hbm>>
    %dma_start3A_87 = tpu.memref_slice %arg3[%add3A_37] : memref<8034304xf32, #tpu.memory_space<hbm>> -> memref<15632xf32, #tpu.memory_space<hbm>>
    %dma_start3A_88 = arith.constant 8 : i32
    %dma_start3A_89 = tpu.memref_slice %arg5[%dma_start3A_88] : memref<15664xf32, #tpu.memory_space<vmem>> -> memref<15632xf32, #tpu.memory_space<vmem>>
    tpu.enqueue_dma source(%dma_start3A_89 : memref<15632xf32, #tpu.memory_space<vmem>>) target(%dma_start3A_87 : memref<15632xf32, #tpu.memory_space<hbm>>) target_semaphore(%arg10 : memref<!tpu.dma_semaphore, #tpu.memory_space<semaphore_mem>>)
    %dma_start3A_90 = arith.constant 8 : i32
    %dma_start3A_91 = tpu.memref_slice %arg6[%dma_start3A_90] : memref<15664xf32, #tpu.memory_space<vmem>> -> memref<15632xf32, #tpu.memory_space<vmem>>
    %dma_start3A_92 = tpu.memref_slice %arg3[%add3A_39] : memref<8034304xf32, #tpu.memory_space<hbm>> -> memref<15632xf32, #tpu.memory_space<hbm>>
    %dma_start3A_93 = tpu.memref_slice %arg3[%add3A_39] : memref<8034304xf32, #tpu.memory_space<hbm>> -> memref<15632xf32, #tpu.memory_space<hbm>>
    %dma_start3A_94 = arith.constant 8 : i32
    %dma_start3A_95 = tpu.memref_slice %arg6[%dma_start3A_94] : memref<15664xf32, #tpu.memory_space<vmem>> -> memref<15632xf32, #tpu.memory_space<vmem>>
    tpu.enqueue_dma source(%dma_start3A_95 : memref<15632xf32, #tpu.memory_space<vmem>>) target(%dma_start3A_93 : memref<15632xf32, #tpu.memory_space<hbm>>) target_semaphore(%arg10 : memref<!tpu.dma_semaphore, #tpu.memory_space<semaphore_mem>>)
    %dma_start3A_96 = arith.constant 8 : i32
    %dma_start3A_97 = tpu.memref_slice %arg7[%dma_start3A_96] : memref<15664xf32, #tpu.memory_space<vmem>> -> memref<15632xf32, #tpu.memory_space<vmem>>
    %dma_start3A_98 = tpu.memref_slice %arg3[%add3A_41] : memref<8034304xf32, #tpu.memory_space<hbm>> -> memref<15632xf32, #tpu.memory_space<hbm>>
    %dma_start3A_99 = tpu.memref_slice %arg3[%add3A_41] : memref<8034304xf32, #tpu.memory_space<hbm>> -> memref<15632xf32, #tpu.memory_space<hbm>>
    %dma_start3A_100 = arith.constant 8 : i32
    %dma_start3A_101 = tpu.memref_slice %arg7[%dma_start3A_100] : memref<15664xf32, #tpu.memory_space<vmem>> -> memref<15632xf32, #tpu.memory_space<vmem>>
    tpu.enqueue_dma source(%dma_start3A_101 : memref<15632xf32, #tpu.memory_space<vmem>>) target(%dma_start3A_99 : memref<15632xf32, #tpu.memory_space<hbm>>) target_semaphore(%arg10 : memref<!tpu.dma_semaphore, #tpu.memory_space<semaphore_mem>>)
    %dma_start3A_102 = arith.constant 8 : i32
    %dma_start3A_103 = tpu.memref_slice %arg8[%dma_start3A_102] : memref<15664xf32, #tpu.memory_space<vmem>> -> memref<15632xf32, #tpu.memory_space<vmem>>
    %dma_start3A_104 = tpu.memref_slice %arg3[%add3A_43] : memref<8034304xf32, #tpu.memory_space<hbm>> -> memref<15632xf32, #tpu.memory_space<hbm>>
    %dma_start3A_105 = tpu.memref_slice %arg3[%add3A_43] : memref<8034304xf32, #tpu.memory_space<hbm>> -> memref<15632xf32, #tpu.memory_space<hbm>>
    %dma_start3A_106 = arith.constant 8 : i32
    %dma_start3A_107 = tpu.memref_slice %arg8[%dma_start3A_106] : memref<15664xf32, #tpu.memory_space<vmem>> -> memref<15632xf32, #tpu.memory_space<vmem>>
    tpu.enqueue_dma source(%dma_start3A_107 : memref<15632xf32, #tpu.memory_space<vmem>>) target(%dma_start3A_105 : memref<15632xf32, #tpu.memory_space<hbm>>) target_semaphore(%arg10 : memref<!tpu.dma_semaphore, #tpu.memory_space<semaphore_mem>>)
    %dma_start3A_108 = arith.constant 16 : i32
    %dma_start3A_109 = tpu.memref_slice %arg5[%dma_start3A_108] : memref<15664xf32, #tpu.memory_space<vmem>> -> memref<15632xf32, #tpu.memory_space<vmem>>
    %dma_start3A_110 = tpu.memref_slice %arg3[%add3A_45] : memref<8034304xf32, #tpu.memory_space<hbm>> -> memref<15632xf32, #tpu.memory_space<hbm>>
    %dma_start3A_111 = tpu.memref_slice %arg3[%add3A_45] : memref<8034304xf32, #tpu.memory_space<hbm>> -> memref<15632xf32, #tpu.memory_space<hbm>>
    %dma_start3A_112 = arith.constant 16 : i32
    %dma_start3A_113 = tpu.memref_slice %arg5[%dma_start3A_112] : memref<15664xf32, #tpu.memory_space<vmem>> -> memref<15632xf32, #tpu.memory_space<vmem>>
    tpu.enqueue_dma source(%dma_start3A_113 : memref<15632xf32, #tpu.memory_space<vmem>>) target(%dma_start3A_111 : memref<15632xf32, #tpu.memory_space<hbm>>) target_semaphore(%arg10 : memref<!tpu.dma_semaphore, #tpu.memory_space<semaphore_mem>>)
    %dma_start3A_114 = arith.constant 16 : i32
    %dma_start3A_115 = tpu.memref_slice %arg6[%dma_start3A_114] : memref<15664xf32, #tpu.memory_space<vmem>> -> memref<15632xf32, #tpu.memory_space<vmem>>
    %dma_start3A_116 = tpu.memref_slice %arg3[%add3A_47] : memref<8034304xf32, #tpu.memory_space<hbm>> -> memref<15632xf32, #tpu.memory_space<hbm>>
    %dma_start3A_117 = tpu.memref_slice %arg3[%add3A_47] : memref<8034304xf32, #tpu.memory_space<hbm>> -> memref<15632xf32, #tpu.memory_space<hbm>>
    %dma_start3A_118 = arith.constant 16 : i32
    %dma_start3A_119 = tpu.memref_slice %arg6[%dma_start3A_118] : memref<15664xf32, #tpu.memory_space<vmem>> -> memref<15632xf32, #tpu.memory_space<vmem>>
    tpu.enqueue_dma source(%dma_start3A_119 : memref<15632xf32, #tpu.memory_space<vmem>>) target(%dma_start3A_117 : memref<15632xf32, #tpu.memory_space<hbm>>) target_semaphore(%arg10 : memref<!tpu.dma_semaphore, #tpu.memory_space<semaphore_mem>>)
    %dma_start3A_120 = arith.constant 16 : i32
    %dma_start3A_121 = tpu.memref_slice %arg7[%dma_start3A_120] : memref<15664xf32, #tpu.memory_space<vmem>> -> memref<15632xf32, #tpu.memory_space<vmem>>
    %dma_start3A_122 = tpu.memref_slice %arg3[%add3A_49] : memref<8034304xf32, #tpu.memory_space<hbm>> -> memref<15632xf32, #tpu.memory_space<hbm>>
    %dma_start3A_123 = tpu.memref_slice %arg3[%add3A_49] : memref<8034304xf32, #tpu.memory_space<hbm>> -> memref<15632xf32, #tpu.memory_space<hbm>>
    %dma_start3A_124 = arith.constant 16 : i32
    %dma_start3A_125 = tpu.memref_slice %arg7[%dma_start3A_124] : memref<15664xf32, #tpu.memory_space<vmem>> -> memref<15632xf32, #tpu.memory_space<vmem>>
    tpu.enqueue_dma source(%dma_start3A_125 : memref<15632xf32, #tpu.memory_space<vmem>>) target(%dma_start3A_123 : memref<15632xf32, #tpu.memory_space<hbm>>) target_semaphore(%arg10 : memref<!tpu.dma_semaphore, #tpu.memory_space<semaphore_mem>>)
    %dma_start3A_126 = arith.constant 16 : i32
    %dma_start3A_127 = tpu.memref_slice %arg8[%dma_start3A_126] : memref<15664xf32, #tpu.memory_space<vmem>> -> memref<15632xf32, #tpu.memory_space<vmem>>
    %dma_start3A_128 = tpu.memref_slice %arg3[%add3A_51] : memref<8034304xf32, #tpu.memory_space<hbm>> -> memref<15632xf32, #tpu.memory_space<hbm>>
    %dma_start3A_129 = tpu.memref_slice %arg3[%add3A_51] : memref<8034304xf32, #tpu.memory_space<hbm>> -> memref<15632xf32, #tpu.memory_space<hbm>>
    %dma_start3A_130 = arith.constant 16 : i32
    %dma_start3A_131 = tpu.memref_slice %arg8[%dma_start3A_130] : memref<15664xf32, #tpu.memory_space<vmem>> -> memref<15632xf32, #tpu.memory_space<vmem>>
    tpu.enqueue_dma source(%dma_start3A_131 : memref<15632xf32, #tpu.memory_space<vmem>>) target(%dma_start3A_129 : memref<15632xf32, #tpu.memory_space<hbm>>) target_semaphore(%arg10 : memref<!tpu.dma_semaphore, #tpu.memory_space<semaphore_mem>>)
    %dma_start3A_132 = arith.constant 24 : i32
    %dma_start3A_133 = tpu.memref_slice %arg5[%dma_start3A_132] : memref<15664xf32, #tpu.memory_space<vmem>> -> memref<15632xf32, #tpu.memory_space<vmem>>
    %dma_start3A_134 = tpu.memref_slice %arg3[%add3A_53] : memref<8034304xf32, #tpu.memory_space<hbm>> -> memref<15632xf32, #tpu.memory_space<hbm>>
    %dma_start3A_135 = tpu.memref_slice %arg3[%add3A_53] : memref<8034304xf32, #tpu.memory_space<hbm>> -> memref<15632xf32, #tpu.memory_space<hbm>>
    %dma_start3A_136 = arith.constant 24 : i32
    %dma_start3A_137 = tpu.memref_slice %arg5[%dma_start3A_136] : memref<15664xf32, #tpu.memory_space<vmem>> -> memref<15632xf32, #tpu.memory_space<vmem>>
    tpu.enqueue_dma source(%dma_start3A_137 : memref<15632xf32, #tpu.memory_space<vmem>>) target(%dma_start3A_135 : memref<15632xf32, #tpu.memory_space<hbm>>) target_semaphore(%arg10 : memref<!tpu.dma_semaphore, #tpu.memory_space<semaphore_mem>>)
    %dma_start3A_138 = arith.constant 24 : i32
    %dma_start3A_139 = tpu.memref_slice %arg6[%dma_start3A_138] : memref<15664xf32, #tpu.memory_space<vmem>> -> memref<15632xf32, #tpu.memory_space<vmem>>
    %dma_start3A_140 = tpu.memref_slice %arg3[%add3A_55] : memref<8034304xf32, #tpu.memory_space<hbm>> -> memref<15632xf32, #tpu.memory_space<hbm>>
    %dma_start3A_141 = tpu.memref_slice %arg3[%add3A_55] : memref<8034304xf32, #tpu.memory_space<hbm>> -> memref<15632xf32, #tpu.memory_space<hbm>>
    %dma_start3A_142 = arith.constant 24 : i32
    %dma_start3A_143 = tpu.memref_slice %arg6[%dma_start3A_142] : memref<15664xf32, #tpu.memory_space<vmem>> -> memref<15632xf32, #tpu.memory_space<vmem>>
    tpu.enqueue_dma source(%dma_start3A_143 : memref<15632xf32, #tpu.memory_space<vmem>>) target(%dma_start3A_141 : memref<15632xf32, #tpu.memory_space<hbm>>) target_semaphore(%arg10 : memref<!tpu.dma_semaphore, #tpu.memory_space<semaphore_mem>>)
    %dma_start3A_144 = arith.constant 24 : i32
    %dma_start3A_145 = tpu.memref_slice %arg7[%dma_start3A_144] : memref<15664xf32, #tpu.memory_space<vmem>> -> memref<15632xf32, #tpu.memory_space<vmem>>
    %dma_start3A_146 = tpu.memref_slice %arg3[%add3A_57] : memref<8034304xf32, #tpu.memory_space<hbm>> -> memref<15632xf32, #tpu.memory_space<hbm>>
    %dma_start3A_147 = tpu.memref_slice %arg3[%add3A_57] : memref<8034304xf32, #tpu.memory_space<hbm>> -> memref<15632xf32, #tpu.memory_space<hbm>>
    %dma_start3A_148 = arith.constant 24 : i32
    %dma_start3A_149 = tpu.memref_slice %arg7[%dma_start3A_148] : memref<15664xf32, #tpu.memory_space<vmem>> -> memref<15632xf32, #tpu.memory_space<vmem>>
    tpu.enqueue_dma source(%dma_start3A_149 : memref<15632xf32, #tpu.memory_space<vmem>>) target(%dma_start3A_147 : memref<15632xf32, #tpu.memory_space<hbm>>) target_semaphore(%arg10 : memref<!tpu.dma_semaphore, #tpu.memory_space<semaphore_mem>>)
    %dma_start3A_150 = arith.constant 24 : i32
    %dma_start3A_151 = tpu.memref_slice %arg8[%dma_start3A_150] : memref<15664xf32, #tpu.memory_space<vmem>> -> memref<15632xf32, #tpu.memory_space<vmem>>
    %dma_start3A_152 = tpu.memref_slice %arg3[%add3A_59] : memref<8034304xf32, #tpu.memory_space<hbm>> -> memref<15632xf32, #tpu.memory_space<hbm>>
    %dma_start3A_153 = tpu.memref_slice %arg3[%add3A_59] : memref<8034304xf32, #tpu.memory_space<hbm>> -> memref<15632xf32, #tpu.memory_space<hbm>>
    %dma_start3A_154 = arith.constant 24 : i32
    %dma_start3A_155 = tpu.memref_slice %arg8[%dma_start3A_154] : memref<15664xf32, #tpu.memory_space<vmem>> -> memref<15632xf32, #tpu.memory_space<vmem>>
    tpu.enqueue_dma source(%dma_start3A_155 : memref<15632xf32, #tpu.memory_space<vmem>>) target(%dma_start3A_153 : memref<15632xf32, #tpu.memory_space<hbm>>) target_semaphore(%arg10 : memref<!tpu.dma_semaphore, #tpu.memory_space<semaphore_mem>>)
    %dma_wait3A_156 = arith.constant 0 : i32
    %dma_wait3A_157 = tpu.memref_slice %arg5[%dma_wait3A_156] : memref<15664xf32, #tpu.memory_space<vmem>> -> memref<15632xf32, #tpu.memory_space<vmem>>
    %dma_wait3A_158 = tpu.memref_slice %arg3[%add3A_29] : memref<8034304xf32, #tpu.memory_space<hbm>> -> memref<15632xf32, #tpu.memory_space<hbm>>
    %dma_wait3A_159 = tpu.memref_slice %arg3[%add3A_29] : memref<8034304xf32, #tpu.memory_space<hbm>> -> memref<15632xf32, #tpu.memory_space<hbm>>
    %dma_wait3A_160 = arith.constant 0 : i32
    %dma_wait3A_161 = tpu.memref_slice %arg5[%dma_wait3A_160] : memref<15664xf32, #tpu.memory_space<vmem>> -> memref<15632xf32, #tpu.memory_space<vmem>>
    tpu.wait_dma2 semaphore(%arg10 : memref<!tpu.dma_semaphore, #tpu.memory_space<semaphore_mem>>) src(%dma_wait3A_161 : memref<15632xf32, #tpu.memory_space<vmem>>) dst(%dma_wait3A_159 : memref<15632xf32, #tpu.memory_space<hbm>>)
    %dma_wait3A_162 = arith.constant 0 : i32
    %dma_wait3A_163 = tpu.memref_slice %arg6[%dma_wait3A_162] : memref<15664xf32, #tpu.memory_space<vmem>> -> memref<15632xf32, #tpu.memory_space<vmem>>
    %dma_wait3A_164 = tpu.memref_slice %arg3[%add3A_31] : memref<8034304xf32, #tpu.memory_space<hbm>> -> memref<15632xf32, #tpu.memory_space<hbm>>
    %dma_wait3A_165 = tpu.memref_slice %arg3[%add3A_31] : memref<8034304xf32, #tpu.memory_space<hbm>> -> memref<15632xf32, #tpu.memory_space<hbm>>
    %dma_wait3A_166 = arith.constant 0 : i32
    %dma_wait3A_167 = tpu.memref_slice %arg6[%dma_wait3A_166] : memref<15664xf32, #tpu.memory_space<vmem>> -> memref<15632xf32, #tpu.memory_space<vmem>>
    tpu.wait_dma2 semaphore(%arg10 : memref<!tpu.dma_semaphore, #tpu.memory_space<semaphore_mem>>) src(%dma_wait3A_167 : memref<15632xf32, #tpu.memory_space<vmem>>) dst(%dma_wait3A_165 : memref<15632xf32, #tpu.memory_space<hbm>>)
    %dma_wait3A_168 = arith.constant 0 : i32
    %dma_wait3A_169 = tpu.memref_slice %arg7[%dma_wait3A_168] : memref<15664xf32, #tpu.memory_space<vmem>> -> memref<15632xf32, #tpu.memory_space<vmem>>
    %dma_wait3A_170 = tpu.memref_slice %arg3[%add3A_33] : memref<8034304xf32, #tpu.memory_space<hbm>> -> memref<15632xf32, #tpu.memory_space<hbm>>
    %dma_wait3A_171 = tpu.memref_slice %arg3[%add3A_33] : memref<8034304xf32, #tpu.memory_space<hbm>> -> memref<15632xf32, #tpu.memory_space<hbm>>
    %dma_wait3A_172 = arith.constant 0 : i32
    %dma_wait3A_173 = tpu.memref_slice %arg7[%dma_wait3A_172] : memref<15664xf32, #tpu.memory_space<vmem>> -> memref<15632xf32, #tpu.memory_space<vmem>>
    tpu.wait_dma2 semaphore(%arg10 : memref<!tpu.dma_semaphore, #tpu.memory_space<semaphore_mem>>) src(%dma_wait3A_173 : memref<15632xf32, #tpu.memory_space<vmem>>) dst(%dma_wait3A_171 : memref<15632xf32, #tpu.memory_space<hbm>>)
    %dma_wait3A_174 = arith.constant 0 : i32
    %dma_wait3A_175 = tpu.memref_slice %arg8[%dma_wait3A_174] : memref<15664xf32, #tpu.memory_space<vmem>> -> memref<15632xf32, #tpu.memory_space<vmem>>
    %dma_wait3A_176 = tpu.memref_slice %arg3[%add3A_35] : memref<8034304xf32, #tpu.memory_space<hbm>> -> memref<15632xf32, #tpu.memory_space<hbm>>
    %dma_wait3A_177 = tpu.memref_slice %arg3[%add3A_35] : memref<8034304xf32, #tpu.memory_space<hbm>> -> memref<15632xf32, #tpu.memory_space<hbm>>
    %dma_wait3A_178 = arith.constant 0 : i32
    %dma_wait3A_179 = tpu.memref_slice %arg8[%dma_wait3A_178] : memref<15664xf32, #tpu.memory_space<vmem>> -> memref<15632xf32, #tpu.memory_space<vmem>>
    tpu.wait_dma2 semaphore(%arg10 : memref<!tpu.dma_semaphore, #tpu.memory_space<semaphore_mem>>) src(%dma_wait3A_179 : memref<15632xf32, #tpu.memory_space<vmem>>) dst(%dma_wait3A_177 : memref<15632xf32, #tpu.memory_space<hbm>>)
    %dma_wait3A_180 = arith.constant 8 : i32
    %dma_wait3A_181 = tpu.memref_slice %arg5[%dma_wait3A_180] : memref<15664xf32, #tpu.memory_space<vmem>> -> memref<15632xf32, #tpu.memory_space<vmem>>
    %dma_wait3A_182 = tpu.memref_slice %arg3[%add3A_37] : memref<8034304xf32, #tpu.memory_space<hbm>> -> memref<15632xf32, #tpu.memory_space<hbm>>
    %dma_wait3A_183 = tpu.memref_slice %arg3[%add3A_37] : memref<8034304xf32, #tpu.memory_space<hbm>> -> memref<15632xf32, #tpu.memory_space<hbm>>
    %dma_wait3A_184 = arith.constant 8 : i32
    %dma_wait3A_185 = tpu.memref_slice %arg5[%dma_wait3A_184] : memref<15664xf32, #tpu.memory_space<vmem>> -> memref<15632xf32, #tpu.memory_space<vmem>>
    tpu.wait_dma2 semaphore(%arg10 : memref<!tpu.dma_semaphore, #tpu.memory_space<semaphore_mem>>) src(%dma_wait3A_185 : memref<15632xf32, #tpu.memory_space<vmem>>) dst(%dma_wait3A_183 : memref<15632xf32, #tpu.memory_space<hbm>>)
    %dma_wait3A_186 = arith.constant 8 : i32
    %dma_wait3A_187 = tpu.memref_slice %arg6[%dma_wait3A_186] : memref<15664xf32, #tpu.memory_space<vmem>> -> memref<15632xf32, #tpu.memory_space<vmem>>
    %dma_wait3A_188 = tpu.memref_slice %arg3[%add3A_39] : memref<8034304xf32, #tpu.memory_space<hbm>> -> memref<15632xf32, #tpu.memory_space<hbm>>
    %dma_wait3A_189 = tpu.memref_slice %arg3[%add3A_39] : memref<8034304xf32, #tpu.memory_space<hbm>> -> memref<15632xf32, #tpu.memory_space<hbm>>
    %dma_wait3A_190 = arith.constant 8 : i32
    %dma_wait3A_191 = tpu.memref_slice %arg6[%dma_wait3A_190] : memref<15664xf32, #tpu.memory_space<vmem>> -> memref<15632xf32, #tpu.memory_space<vmem>>
    tpu.wait_dma2 semaphore(%arg10 : memref<!tpu.dma_semaphore, #tpu.memory_space<semaphore_mem>>) src(%dma_wait3A_191 : memref<15632xf32, #tpu.memory_space<vmem>>) dst(%dma_wait3A_189 : memref<15632xf32, #tpu.memory_space<hbm>>)
    %dma_wait3A_192 = arith.constant 8 : i32
    %dma_wait3A_193 = tpu.memref_slice %arg7[%dma_wait3A_192] : memref<15664xf32, #tpu.memory_space<vmem>> -> memref<15632xf32, #tpu.memory_space<vmem>>
    %dma_wait3A_194 = tpu.memref_slice %arg3[%add3A_41] : memref<8034304xf32, #tpu.memory_space<hbm>> -> memref<15632xf32, #tpu.memory_space<hbm>>
    %dma_wait3A_195 = tpu.memref_slice %arg3[%add3A_41] : memref<8034304xf32, #tpu.memory_space<hbm>> -> memref<15632xf32, #tpu.memory_space<hbm>>
    %dma_wait3A_196 = arith.constant 8 : i32
    %dma_wait3A_197 = tpu.memref_slice %arg7[%dma_wait3A_196] : memref<15664xf32, #tpu.memory_space<vmem>> -> memref<15632xf32, #tpu.memory_space<vmem>>
    tpu.wait_dma2 semaphore(%arg10 : memref<!tpu.dma_semaphore, #tpu.memory_space<semaphore_mem>>) src(%dma_wait3A_197 : memref<15632xf32, #tpu.memory_space<vmem>>) dst(%dma_wait3A_195 : memref<15632xf32, #tpu.memory_space<hbm>>)
    %dma_wait3A_198 = arith.constant 8 : i32
    %dma_wait3A_199 = tpu.memref_slice %arg8[%dma_wait3A_198] : memref<15664xf32, #tpu.memory_space<vmem>> -> memref<15632xf32, #tpu.memory_space<vmem>>
    %dma_wait3A_200 = tpu.memref_slice %arg3[%add3A_43] : memref<8034304xf32, #tpu.memory_space<hbm>> -> memref<15632xf32, #tpu.memory_space<hbm>>
    %dma_wait3A_201 = tpu.memref_slice %arg3[%add3A_43] : memref<8034304xf32, #tpu.memory_space<hbm>> -> memref<15632xf32, #tpu.memory_space<hbm>>
    %dma_wait3A_202 = arith.constant 8 : i32
    %dma_wait3A_203 = tpu.memref_slice %arg8[%dma_wait3A_202] : memref<15664xf32, #tpu.memory_space<vmem>> -> memref<15632xf32, #tpu.memory_space<vmem>>
    tpu.wait_dma2 semaphore(%arg10 : memref<!tpu.dma_semaphore, #tpu.memory_space<semaphore_mem>>) src(%dma_wait3A_203 : memref<15632xf32, #tpu.memory_space<vmem>>) dst(%dma_wait3A_201 : memref<15632xf32, #tpu.memory_space<hbm>>)
    %dma_wait3A_204 = arith.constant 16 : i32
    %dma_wait3A_205 = tpu.memref_slice %arg5[%dma_wait3A_204] : memref<15664xf32, #tpu.memory_space<vmem>> -> memref<15632xf32, #tpu.memory_space<vmem>>
    %dma_wait3A_206 = tpu.memref_slice %arg3[%add3A_45] : memref<8034304xf32, #tpu.memory_space<hbm>> -> memref<15632xf32, #tpu.memory_space<hbm>>
    %dma_wait3A_207 = tpu.memref_slice %arg3[%add3A_45] : memref<8034304xf32, #tpu.memory_space<hbm>> -> memref<15632xf32, #tpu.memory_space<hbm>>
    %dma_wait3A_208 = arith.constant 16 : i32
    %dma_wait3A_209 = tpu.memref_slice %arg5[%dma_wait3A_208] : memref<15664xf32, #tpu.memory_space<vmem>> -> memref<15632xf32, #tpu.memory_space<vmem>>
    tpu.wait_dma2 semaphore(%arg10 : memref<!tpu.dma_semaphore, #tpu.memory_space<semaphore_mem>>) src(%dma_wait3A_209 : memref<15632xf32, #tpu.memory_space<vmem>>) dst(%dma_wait3A_207 : memref<15632xf32, #tpu.memory_space<hbm>>)
    %dma_wait3A_210 = arith.constant 16 : i32
    %dma_wait3A_211 = tpu.memref_slice %arg6[%dma_wait3A_210] : memref<15664xf32, #tpu.memory_space<vmem>> -> memref<15632xf32, #tpu.memory_space<vmem>>
    %dma_wait3A_212 = tpu.memref_slice %arg3[%add3A_47] : memref<8034304xf32, #tpu.memory_space<hbm>> -> memref<15632xf32, #tpu.memory_space<hbm>>
    %dma_wait3A_213 = tpu.memref_slice %arg3[%add3A_47] : memref<8034304xf32, #tpu.memory_space<hbm>> -> memref<15632xf32, #tpu.memory_space<hbm>>
    %dma_wait3A_214 = arith.constant 16 : i32
    %dma_wait3A_215 = tpu.memref_slice %arg6[%dma_wait3A_214] : memref<15664xf32, #tpu.memory_space<vmem>> -> memref<15632xf32, #tpu.memory_space<vmem>>
    tpu.wait_dma2 semaphore(%arg10 : memref<!tpu.dma_semaphore, #tpu.memory_space<semaphore_mem>>) src(%dma_wait3A_215 : memref<15632xf32, #tpu.memory_space<vmem>>) dst(%dma_wait3A_213 : memref<15632xf32, #tpu.memory_space<hbm>>)
    %dma_wait3A_216 = arith.constant 16 : i32
    %dma_wait3A_217 = tpu.memref_slice %arg7[%dma_wait3A_216] : memref<15664xf32, #tpu.memory_space<vmem>> -> memref<15632xf32, #tpu.memory_space<vmem>>
    %dma_wait3A_218 = tpu.memref_slice %arg3[%add3A_49] : memref<8034304xf32, #tpu.memory_space<hbm>> -> memref<15632xf32, #tpu.memory_space<hbm>>
    %dma_wait3A_219 = tpu.memref_slice %arg3[%add3A_49] : memref<8034304xf32, #tpu.memory_space<hbm>> -> memref<15632xf32, #tpu.memory_space<hbm>>
    %dma_wait3A_220 = arith.constant 16 : i32
    %dma_wait3A_221 = tpu.memref_slice %arg7[%dma_wait3A_220] : memref<15664xf32, #tpu.memory_space<vmem>> -> memref<15632xf32, #tpu.memory_space<vmem>>
    tpu.wait_dma2 semaphore(%arg10 : memref<!tpu.dma_semaphore, #tpu.memory_space<semaphore_mem>>) src(%dma_wait3A_221 : memref<15632xf32, #tpu.memory_space<vmem>>) dst(%dma_wait3A_219 : memref<15632xf32, #tpu.memory_space<hbm>>)
    %dma_wait3A_222 = arith.constant 16 : i32
    %dma_wait3A_223 = tpu.memref_slice %arg8[%dma_wait3A_222] : memref<15664xf32, #tpu.memory_space<vmem>> -> memref<15632xf32, #tpu.memory_space<vmem>>
    %dma_wait3A_224 = tpu.memref_slice %arg3[%add3A_51] : memref<8034304xf32, #tpu.memory_space<hbm>> -> memref<15632xf32, #tpu.memory_space<hbm>>
    %dma_wait3A_225 = tpu.memref_slice %arg3[%add3A_51] : memref<8034304xf32, #tpu.memory_space<hbm>> -> memref<15632xf32, #tpu.memory_space<hbm>>
    %dma_wait3A_226 = arith.constant 16 : i32
    %dma_wait3A_227 = tpu.memref_slice %arg8[%dma_wait3A_226] : memref<15664xf32, #tpu.memory_space<vmem>> -> memref<15632xf32, #tpu.memory_space<vmem>>
    tpu.wait_dma2 semaphore(%arg10 : memref<!tpu.dma_semaphore, #tpu.memory_space<semaphore_mem>>) src(%dma_wait3A_227 : memref<15632xf32, #tpu.memory_space<vmem>>) dst(%dma_wait3A_225 : memref<15632xf32, #tpu.memory_space<hbm>>)
    %dma_wait3A_228 = arith.constant 24 : i32
    %dma_wait3A_229 = tpu.memref_slice %arg5[%dma_wait3A_228] : memref<15664xf32, #tpu.memory_space<vmem>> -> memref<15632xf32, #tpu.memory_space<vmem>>
    %dma_wait3A_230 = tpu.memref_slice %arg3[%add3A_53] : memref<8034304xf32, #tpu.memory_space<hbm>> -> memref<15632xf32, #tpu.memory_space<hbm>>
    %dma_wait3A_231 = tpu.memref_slice %arg3[%add3A_53] : memref<8034304xf32, #tpu.memory_space<hbm>> -> memref<15632xf32, #tpu.memory_space<hbm>>
    %dma_wait3A_232 = arith.constant 24 : i32
    %dma_wait3A_233 = tpu.memref_slice %arg5[%dma_wait3A_232] : memref<15664xf32, #tpu.memory_space<vmem>> -> memref<15632xf32, #tpu.memory_space<vmem>>
    tpu.wait_dma2 semaphore(%arg10 : memref<!tpu.dma_semaphore, #tpu.memory_space<semaphore_mem>>) src(%dma_wait3A_233 : memref<15632xf32, #tpu.memory_space<vmem>>) dst(%dma_wait3A_231 : memref<15632xf32, #tpu.memory_space<hbm>>)
    %dma_wait3A_234 = arith.constant 24 : i32
    %dma_wait3A_235 = tpu.memref_slice %arg6[%dma_wait3A_234] : memref<15664xf32, #tpu.memory_space<vmem>> -> memref<15632xf32, #tpu.memory_space<vmem>>
    %dma_wait3A_236 = tpu.memref_slice %arg3[%add3A_55] : memref<8034304xf32, #tpu.memory_space<hbm>> -> memref<15632xf32, #tpu.memory_space<hbm>>
    %dma_wait3A_237 = tpu.memref_slice %arg3[%add3A_55] : memref<8034304xf32, #tpu.memory_space<hbm>> -> memref<15632xf32, #tpu.memory_space<hbm>>
    %dma_wait3A_238 = arith.constant 24 : i32
    %dma_wait3A_239 = tpu.memref_slice %arg6[%dma_wait3A_238] : memref<15664xf32, #tpu.memory_space<vmem>> -> memref<15632xf32, #tpu.memory_space<vmem>>
    tpu.wait_dma2 semaphore(%arg10 : memref<!tpu.dma_semaphore, #tpu.memory_space<semaphore_mem>>) src(%dma_wait3A_239 : memref<15632xf32, #tpu.memory_space<vmem>>) dst(%dma_wait3A_237 : memref<15632xf32, #tpu.memory_space<hbm>>)
    %dma_wait3A_240 = arith.constant 24 : i32
    %dma_wait3A_241 = tpu.memref_slice %arg7[%dma_wait3A_240] : memref<15664xf32, #tpu.memory_space<vmem>> -> memref<15632xf32, #tpu.memory_space<vmem>>
    %dma_wait3A_242 = tpu.memref_slice %arg3[%add3A_57] : memref<8034304xf32, #tpu.memory_space<hbm>> -> memref<15632xf32, #tpu.memory_space<hbm>>
    %dma_wait3A_243 = tpu.memref_slice %arg3[%add3A_57] : memref<8034304xf32, #tpu.memory_space<hbm>> -> memref<15632xf32, #tpu.memory_space<hbm>>
    %dma_wait3A_244 = arith.constant 24 : i32
    %dma_wait3A_245 = tpu.memref_slice %arg7[%dma_wait3A_244] : memref<15664xf32, #tpu.memory_space<vmem>> -> memref<15632xf32, #tpu.memory_space<vmem>>
    tpu.wait_dma2 semaphore(%arg10 : memref<!tpu.dma_semaphore, #tpu.memory_space<semaphore_mem>>) src(%dma_wait3A_245 : memref<15632xf32, #tpu.memory_space<vmem>>) dst(%dma_wait3A_243 : memref<15632xf32, #tpu.memory_space<hbm>>)
    %dma_wait3A_246 = arith.constant 24 : i32
    %dma_wait3A_247 = tpu.memref_slice %arg8[%dma_wait3A_246] : memref<15664xf32, #tpu.memory_space<vmem>> -> memref<15632xf32, #tpu.memory_space<vmem>>
    %dma_wait3A_248 = tpu.memref_slice %arg3[%add3A_59] : memref<8034304xf32, #tpu.memory_space<hbm>> -> memref<15632xf32, #tpu.memory_space<hbm>>
    %dma_wait3A_249 = tpu.memref_slice %arg3[%add3A_59] : memref<8034304xf32, #tpu.memory_space<hbm>> -> memref<15632xf32, #tpu.memory_space<hbm>>
    %dma_wait3A_250 = arith.constant 24 : i32
    %dma_wait3A_251 = tpu.memref_slice %arg8[%dma_wait3A_250] : memref<15664xf32, #tpu.memory_space<vmem>> -> memref<15632xf32, #tpu.memory_space<vmem>>
    tpu.wait_dma2 semaphore(%arg10 : memref<!tpu.dma_semaphore, #tpu.memory_space<semaphore_mem>>) src(%dma_wait3A_251 : memref<15632xf32, #tpu.memory_space<vmem>>) dst(%dma_wait3A_249 : memref<15632xf32, #tpu.memory_space<hbm>>)
    return
  }
}

module attributes {stable_mosaic.version = 14 : i64} {
  func.func @_retile_body(%arg0: i32, %arg1: memref<8034304xf32, #tpu.memory_space<any>>, %arg2: memref<16x32768xf32, #tpu.memory_space<vmem>>, %arg3: memref<!tpu.dma_semaphore, #tpu.memory_space<semaphore_mem>>) attributes {dimension_semantics = [#tpu.dimension_semantics<arbitrary>], iteration_bounds = array<i64: 16>, scalar_prefetch = 0 : i64, scratch_operands = 1 : i64, tpu.core_type = #tpu.core_type<tc>, window_params = [{}, {transform_indices = @transform_1, window_bounds = array<i64: 16, 32768>}]} {
    %mul3A = arith.constant 32768 : i32
    %mul3A_0 = arith.muli %arg0, %mul3A : i32
    %add3A = arith.constant 0 : i32
    %add3A_1 = arith.addi %add3A, %mul3A_0 : i32
    %add3A_2 = arith.constant 500096 : i32
    %add3A_3 = arith.addi %add3A_2, %mul3A_0 : i32
    %add3A_4 = arith.constant 1000192 : i32
    %add3A_5 = arith.addi %add3A_4, %mul3A_0 : i32
    %add3A_6 = arith.constant 1500288 : i32
    %add3A_7 = arith.addi %add3A_6, %mul3A_0 : i32
    %add3A_8 = arith.constant 2000384 : i32
    %add3A_9 = arith.addi %add3A_8, %mul3A_0 : i32
    %add3A_10 = arith.constant 2500480 : i32
    %add3A_11 = arith.addi %add3A_10, %mul3A_0 : i32
    %add3A_12 = arith.constant 3000576 : i32
    %add3A_13 = arith.addi %add3A_12, %mul3A_0 : i32
    %add3A_14 = arith.constant 3500672 : i32
    %add3A_15 = arith.addi %add3A_14, %mul3A_0 : i32
    %add3A_16 = arith.constant 4000768 : i32
    %add3A_17 = arith.addi %add3A_16, %mul3A_0 : i32
    %add3A_18 = arith.constant 4500864 : i32
    %add3A_19 = arith.addi %add3A_18, %mul3A_0 : i32
    %add3A_20 = arith.constant 5000960 : i32
    %add3A_21 = arith.addi %add3A_20, %mul3A_0 : i32
    %add3A_22 = arith.constant 5501056 : i32
    %add3A_23 = arith.addi %add3A_22, %mul3A_0 : i32
    %add3A_24 = arith.constant 6001152 : i32
    %add3A_25 = arith.addi %add3A_24, %mul3A_0 : i32
    %add3A_26 = arith.constant 6501248 : i32
    %add3A_27 = arith.addi %add3A_26, %mul3A_0 : i32
    %add3A_28 = arith.constant 7001344 : i32
    %add3A_29 = arith.addi %add3A_28, %mul3A_0 : i32
    %add3A_30 = arith.constant 7501440 : i32
    %add3A_31 = arith.addi %add3A_30, %mul3A_0 : i32
    %dma_start3A = arith.constant 0 : i32
    %dma_start3A_32 = arith.constant 0 : i32
    %dma_start3A_33 = tpu.memref_slice %arg2[%dma_start3A, %dma_start3A_32] : memref<16x32768xf32, #tpu.memory_space<vmem>> -> memref<1x32768xf32, #tpu.memory_space<vmem>>
    %dma_start3A_34 = tpu.memref_squeeze %dma_start3A_33 : memref<1x32768xf32, #tpu.memory_space<vmem>> -> memref<32768xf32, #tpu.memory_space<vmem>>
    %dma_start3A_35 = tpu.memref_slice %arg1[%add3A_1] : memref<8034304xf32, #tpu.memory_space<any>> -> memref<32768xf32, #tpu.memory_space<any>>
    tpu.enqueue_dma source(%dma_start3A_35 : memref<32768xf32, #tpu.memory_space<any>>) target(%dma_start3A_34 : memref<32768xf32, #tpu.memory_space<vmem>>) target_semaphore(%arg3 : memref<!tpu.dma_semaphore, #tpu.memory_space<semaphore_mem>>)
    %dma_start3A_36 = arith.constant 1 : i32
    %dma_start3A_37 = arith.constant 0 : i32
    %dma_start3A_38 = tpu.memref_slice %arg2[%dma_start3A_36, %dma_start3A_37] : memref<16x32768xf32, #tpu.memory_space<vmem>> -> memref<1x32768xf32, #tpu.memory_space<vmem>>
    %dma_start3A_39 = tpu.memref_squeeze %dma_start3A_38 : memref<1x32768xf32, #tpu.memory_space<vmem>> -> memref<32768xf32, #tpu.memory_space<vmem>>
    %dma_start3A_40 = tpu.memref_slice %arg1[%add3A_3] : memref<8034304xf32, #tpu.memory_space<any>> -> memref<32768xf32, #tpu.memory_space<any>>
    tpu.enqueue_dma source(%dma_start3A_40 : memref<32768xf32, #tpu.memory_space<any>>) target(%dma_start3A_39 : memref<32768xf32, #tpu.memory_space<vmem>>) target_semaphore(%arg3 : memref<!tpu.dma_semaphore, #tpu.memory_space<semaphore_mem>>)
    %dma_start3A_41 = arith.constant 2 : i32
    %dma_start3A_42 = arith.constant 0 : i32
    %dma_start3A_43 = tpu.memref_slice %arg2[%dma_start3A_41, %dma_start3A_42] : memref<16x32768xf32, #tpu.memory_space<vmem>> -> memref<1x32768xf32, #tpu.memory_space<vmem>>
    %dma_start3A_44 = tpu.memref_squeeze %dma_start3A_43 : memref<1x32768xf32, #tpu.memory_space<vmem>> -> memref<32768xf32, #tpu.memory_space<vmem>>
    %dma_start3A_45 = tpu.memref_slice %arg1[%add3A_5] : memref<8034304xf32, #tpu.memory_space<any>> -> memref<32768xf32, #tpu.memory_space<any>>
    tpu.enqueue_dma source(%dma_start3A_45 : memref<32768xf32, #tpu.memory_space<any>>) target(%dma_start3A_44 : memref<32768xf32, #tpu.memory_space<vmem>>) target_semaphore(%arg3 : memref<!tpu.dma_semaphore, #tpu.memory_space<semaphore_mem>>)
    %dma_start3A_46 = arith.constant 3 : i32
    %dma_start3A_47 = arith.constant 0 : i32
    %dma_start3A_48 = tpu.memref_slice %arg2[%dma_start3A_46, %dma_start3A_47] : memref<16x32768xf32, #tpu.memory_space<vmem>> -> memref<1x32768xf32, #tpu.memory_space<vmem>>
    %dma_start3A_49 = tpu.memref_squeeze %dma_start3A_48 : memref<1x32768xf32, #tpu.memory_space<vmem>> -> memref<32768xf32, #tpu.memory_space<vmem>>
    %dma_start3A_50 = tpu.memref_slice %arg1[%add3A_7] : memref<8034304xf32, #tpu.memory_space<any>> -> memref<32768xf32, #tpu.memory_space<any>>
    tpu.enqueue_dma source(%dma_start3A_50 : memref<32768xf32, #tpu.memory_space<any>>) target(%dma_start3A_49 : memref<32768xf32, #tpu.memory_space<vmem>>) target_semaphore(%arg3 : memref<!tpu.dma_semaphore, #tpu.memory_space<semaphore_mem>>)
    %dma_start3A_51 = arith.constant 4 : i32
    %dma_start3A_52 = arith.constant 0 : i32
    %dma_start3A_53 = tpu.memref_slice %arg2[%dma_start3A_51, %dma_start3A_52] : memref<16x32768xf32, #tpu.memory_space<vmem>> -> memref<1x32768xf32, #tpu.memory_space<vmem>>
    %dma_start3A_54 = tpu.memref_squeeze %dma_start3A_53 : memref<1x32768xf32, #tpu.memory_space<vmem>> -> memref<32768xf32, #tpu.memory_space<vmem>>
    %dma_start3A_55 = tpu.memref_slice %arg1[%add3A_9] : memref<8034304xf32, #tpu.memory_space<any>> -> memref<32768xf32, #tpu.memory_space<any>>
    tpu.enqueue_dma source(%dma_start3A_55 : memref<32768xf32, #tpu.memory_space<any>>) target(%dma_start3A_54 : memref<32768xf32, #tpu.memory_space<vmem>>) target_semaphore(%arg3 : memref<!tpu.dma_semaphore, #tpu.memory_space<semaphore_mem>>)
    %dma_start3A_56 = arith.constant 5 : i32
    %dma_start3A_57 = arith.constant 0 : i32
    %dma_start3A_58 = tpu.memref_slice %arg2[%dma_start3A_56, %dma_start3A_57] : memref<16x32768xf32, #tpu.memory_space<vmem>> -> memref<1x32768xf32, #tpu.memory_space<vmem>>
    %dma_start3A_59 = tpu.memref_squeeze %dma_start3A_58 : memref<1x32768xf32, #tpu.memory_space<vmem>> -> memref<32768xf32, #tpu.memory_space<vmem>>
    %dma_start3A_60 = tpu.memref_slice %arg1[%add3A_11] : memref<8034304xf32, #tpu.memory_space<any>> -> memref<32768xf32, #tpu.memory_space<any>>
    tpu.enqueue_dma source(%dma_start3A_60 : memref<32768xf32, #tpu.memory_space<any>>) target(%dma_start3A_59 : memref<32768xf32, #tpu.memory_space<vmem>>) target_semaphore(%arg3 : memref<!tpu.dma_semaphore, #tpu.memory_space<semaphore_mem>>)
    %dma_start3A_61 = arith.constant 6 : i32
    %dma_start3A_62 = arith.constant 0 : i32
    %dma_start3A_63 = tpu.memref_slice %arg2[%dma_start3A_61, %dma_start3A_62] : memref<16x32768xf32, #tpu.memory_space<vmem>> -> memref<1x32768xf32, #tpu.memory_space<vmem>>
    %dma_start3A_64 = tpu.memref_squeeze %dma_start3A_63 : memref<1x32768xf32, #tpu.memory_space<vmem>> -> memref<32768xf32, #tpu.memory_space<vmem>>
    %dma_start3A_65 = tpu.memref_slice %arg1[%add3A_13] : memref<8034304xf32, #tpu.memory_space<any>> -> memref<32768xf32, #tpu.memory_space<any>>
    tpu.enqueue_dma source(%dma_start3A_65 : memref<32768xf32, #tpu.memory_space<any>>) target(%dma_start3A_64 : memref<32768xf32, #tpu.memory_space<vmem>>) target_semaphore(%arg3 : memref<!tpu.dma_semaphore, #tpu.memory_space<semaphore_mem>>)
    %dma_start3A_66 = arith.constant 7 : i32
    %dma_start3A_67 = arith.constant 0 : i32
    %dma_start3A_68 = tpu.memref_slice %arg2[%dma_start3A_66, %dma_start3A_67] : memref<16x32768xf32, #tpu.memory_space<vmem>> -> memref<1x32768xf32, #tpu.memory_space<vmem>>
    %dma_start3A_69 = tpu.memref_squeeze %dma_start3A_68 : memref<1x32768xf32, #tpu.memory_space<vmem>> -> memref<32768xf32, #tpu.memory_space<vmem>>
    %dma_start3A_70 = tpu.memref_slice %arg1[%add3A_15] : memref<8034304xf32, #tpu.memory_space<any>> -> memref<32768xf32, #tpu.memory_space<any>>
    tpu.enqueue_dma source(%dma_start3A_70 : memref<32768xf32, #tpu.memory_space<any>>) target(%dma_start3A_69 : memref<32768xf32, #tpu.memory_space<vmem>>) target_semaphore(%arg3 : memref<!tpu.dma_semaphore, #tpu.memory_space<semaphore_mem>>)
    %dma_start3A_71 = arith.constant 8 : i32
    %dma_start3A_72 = arith.constant 0 : i32
    %dma_start3A_73 = tpu.memref_slice %arg2[%dma_start3A_71, %dma_start3A_72] : memref<16x32768xf32, #tpu.memory_space<vmem>> -> memref<1x32768xf32, #tpu.memory_space<vmem>>
    %dma_start3A_74 = tpu.memref_squeeze %dma_start3A_73 : memref<1x32768xf32, #tpu.memory_space<vmem>> -> memref<32768xf32, #tpu.memory_space<vmem>>
    %dma_start3A_75 = tpu.memref_slice %arg1[%add3A_17] : memref<8034304xf32, #tpu.memory_space<any>> -> memref<32768xf32, #tpu.memory_space<any>>
    tpu.enqueue_dma source(%dma_start3A_75 : memref<32768xf32, #tpu.memory_space<any>>) target(%dma_start3A_74 : memref<32768xf32, #tpu.memory_space<vmem>>) target_semaphore(%arg3 : memref<!tpu.dma_semaphore, #tpu.memory_space<semaphore_mem>>)
    %dma_start3A_76 = arith.constant 9 : i32
    %dma_start3A_77 = arith.constant 0 : i32
    %dma_start3A_78 = tpu.memref_slice %arg2[%dma_start3A_76, %dma_start3A_77] : memref<16x32768xf32, #tpu.memory_space<vmem>> -> memref<1x32768xf32, #tpu.memory_space<vmem>>
    %dma_start3A_79 = tpu.memref_squeeze %dma_start3A_78 : memref<1x32768xf32, #tpu.memory_space<vmem>> -> memref<32768xf32, #tpu.memory_space<vmem>>
    %dma_start3A_80 = tpu.memref_slice %arg1[%add3A_19] : memref<8034304xf32, #tpu.memory_space<any>> -> memref<32768xf32, #tpu.memory_space<any>>
    tpu.enqueue_dma source(%dma_start3A_80 : memref<32768xf32, #tpu.memory_space<any>>) target(%dma_start3A_79 : memref<32768xf32, #tpu.memory_space<vmem>>) target_semaphore(%arg3 : memref<!tpu.dma_semaphore, #tpu.memory_space<semaphore_mem>>)
    %dma_start3A_81 = arith.constant 10 : i32
    %dma_start3A_82 = arith.constant 0 : i32
    %dma_start3A_83 = tpu.memref_slice %arg2[%dma_start3A_81, %dma_start3A_82] : memref<16x32768xf32, #tpu.memory_space<vmem>> -> memref<1x32768xf32, #tpu.memory_space<vmem>>
    %dma_start3A_84 = tpu.memref_squeeze %dma_start3A_83 : memref<1x32768xf32, #tpu.memory_space<vmem>> -> memref<32768xf32, #tpu.memory_space<vmem>>
    %dma_start3A_85 = tpu.memref_slice %arg1[%add3A_21] : memref<8034304xf32, #tpu.memory_space<any>> -> memref<32768xf32, #tpu.memory_space<any>>
    tpu.enqueue_dma source(%dma_start3A_85 : memref<32768xf32, #tpu.memory_space<any>>) target(%dma_start3A_84 : memref<32768xf32, #tpu.memory_space<vmem>>) target_semaphore(%arg3 : memref<!tpu.dma_semaphore, #tpu.memory_space<semaphore_mem>>)
    %dma_start3A_86 = arith.constant 11 : i32
    %dma_start3A_87 = arith.constant 0 : i32
    %dma_start3A_88 = tpu.memref_slice %arg2[%dma_start3A_86, %dma_start3A_87] : memref<16x32768xf32, #tpu.memory_space<vmem>> -> memref<1x32768xf32, #tpu.memory_space<vmem>>
    %dma_start3A_89 = tpu.memref_squeeze %dma_start3A_88 : memref<1x32768xf32, #tpu.memory_space<vmem>> -> memref<32768xf32, #tpu.memory_space<vmem>>
    %dma_start3A_90 = tpu.memref_slice %arg1[%add3A_23] : memref<8034304xf32, #tpu.memory_space<any>> -> memref<32768xf32, #tpu.memory_space<any>>
    tpu.enqueue_dma source(%dma_start3A_90 : memref<32768xf32, #tpu.memory_space<any>>) target(%dma_start3A_89 : memref<32768xf32, #tpu.memory_space<vmem>>) target_semaphore(%arg3 : memref<!tpu.dma_semaphore, #tpu.memory_space<semaphore_mem>>)
    %dma_start3A_91 = arith.constant 12 : i32
    %dma_start3A_92 = arith.constant 0 : i32
    %dma_start3A_93 = tpu.memref_slice %arg2[%dma_start3A_91, %dma_start3A_92] : memref<16x32768xf32, #tpu.memory_space<vmem>> -> memref<1x32768xf32, #tpu.memory_space<vmem>>
    %dma_start3A_94 = tpu.memref_squeeze %dma_start3A_93 : memref<1x32768xf32, #tpu.memory_space<vmem>> -> memref<32768xf32, #tpu.memory_space<vmem>>
    %dma_start3A_95 = tpu.memref_slice %arg1[%add3A_25] : memref<8034304xf32, #tpu.memory_space<any>> -> memref<32768xf32, #tpu.memory_space<any>>
    tpu.enqueue_dma source(%dma_start3A_95 : memref<32768xf32, #tpu.memory_space<any>>) target(%dma_start3A_94 : memref<32768xf32, #tpu.memory_space<vmem>>) target_semaphore(%arg3 : memref<!tpu.dma_semaphore, #tpu.memory_space<semaphore_mem>>)
    %dma_start3A_96 = arith.constant 13 : i32
    %dma_start3A_97 = arith.constant 0 : i32
    %dma_start3A_98 = tpu.memref_slice %arg2[%dma_start3A_96, %dma_start3A_97] : memref<16x32768xf32, #tpu.memory_space<vmem>> -> memref<1x32768xf32, #tpu.memory_space<vmem>>
    %dma_start3A_99 = tpu.memref_squeeze %dma_start3A_98 : memref<1x32768xf32, #tpu.memory_space<vmem>> -> memref<32768xf32, #tpu.memory_space<vmem>>
    %dma_start3A_100 = tpu.memref_slice %arg1[%add3A_27] : memref<8034304xf32, #tpu.memory_space<any>> -> memref<32768xf32, #tpu.memory_space<any>>
    tpu.enqueue_dma source(%dma_start3A_100 : memref<32768xf32, #tpu.memory_space<any>>) target(%dma_start3A_99 : memref<32768xf32, #tpu.memory_space<vmem>>) target_semaphore(%arg3 : memref<!tpu.dma_semaphore, #tpu.memory_space<semaphore_mem>>)
    %dma_start3A_101 = arith.constant 14 : i32
    %dma_start3A_102 = arith.constant 0 : i32
    %dma_start3A_103 = tpu.memref_slice %arg2[%dma_start3A_101, %dma_start3A_102] : memref<16x32768xf32, #tpu.memory_space<vmem>> -> memref<1x32768xf32, #tpu.memory_space<vmem>>
    %dma_start3A_104 = tpu.memref_squeeze %dma_start3A_103 : memref<1x32768xf32, #tpu.memory_space<vmem>> -> memref<32768xf32, #tpu.memory_space<vmem>>
    %dma_start3A_105 = tpu.memref_slice %arg1[%add3A_29] : memref<8034304xf32, #tpu.memory_space<any>> -> memref<32768xf32, #tpu.memory_space<any>>
    tpu.enqueue_dma source(%dma_start3A_105 : memref<32768xf32, #tpu.memory_space<any>>) target(%dma_start3A_104 : memref<32768xf32, #tpu.memory_space<vmem>>) target_semaphore(%arg3 : memref<!tpu.dma_semaphore, #tpu.memory_space<semaphore_mem>>)
    %dma_start3A_106 = arith.constant 15 : i32
    %dma_start3A_107 = arith.constant 0 : i32
    %dma_start3A_108 = tpu.memref_slice %arg2[%dma_start3A_106, %dma_start3A_107] : memref<16x32768xf32, #tpu.memory_space<vmem>> -> memref<1x32768xf32, #tpu.memory_space<vmem>>
    %dma_start3A_109 = tpu.memref_squeeze %dma_start3A_108 : memref<1x32768xf32, #tpu.memory_space<vmem>> -> memref<32768xf32, #tpu.memory_space<vmem>>
    %dma_start3A_110 = tpu.memref_slice %arg1[%add3A_31] : memref<8034304xf32, #tpu.memory_space<any>> -> memref<32768xf32, #tpu.memory_space<any>>
    tpu.enqueue_dma source(%dma_start3A_110 : memref<32768xf32, #tpu.memory_space<any>>) target(%dma_start3A_109 : memref<32768xf32, #tpu.memory_space<vmem>>) target_semaphore(%arg3 : memref<!tpu.dma_semaphore, #tpu.memory_space<semaphore_mem>>)
    %dma_wait3A = arith.constant 0 : i32
    %dma_wait3A_111 = arith.constant 0 : i32
    %dma_wait3A_112 = tpu.memref_slice %arg2[%dma_wait3A, %dma_wait3A_111] : memref<16x32768xf32, #tpu.memory_space<vmem>> -> memref<1x32768xf32, #tpu.memory_space<vmem>>
    %dma_wait3A_113 = tpu.memref_squeeze %dma_wait3A_112 : memref<1x32768xf32, #tpu.memory_space<vmem>> -> memref<32768xf32, #tpu.memory_space<vmem>>
    %dma_wait3A_114 = tpu.memref_slice %arg1[%add3A_1] : memref<8034304xf32, #tpu.memory_space<any>> -> memref<32768xf32, #tpu.memory_space<any>>
    tpu.wait_dma2 semaphore(%arg3 : memref<!tpu.dma_semaphore, #tpu.memory_space<semaphore_mem>>) src(%dma_wait3A_114 : memref<32768xf32, #tpu.memory_space<any>>) dst(%dma_wait3A_113 : memref<32768xf32, #tpu.memory_space<vmem>>)
    %dma_wait3A_115 = arith.constant 1 : i32
    %dma_wait3A_116 = arith.constant 0 : i32
    %dma_wait3A_117 = tpu.memref_slice %arg2[%dma_wait3A_115, %dma_wait3A_116] : memref<16x32768xf32, #tpu.memory_space<vmem>> -> memref<1x32768xf32, #tpu.memory_space<vmem>>
    %dma_wait3A_118 = tpu.memref_squeeze %dma_wait3A_117 : memref<1x32768xf32, #tpu.memory_space<vmem>> -> memref<32768xf32, #tpu.memory_space<vmem>>
    %dma_wait3A_119 = tpu.memref_slice %arg1[%add3A_3] : memref<8034304xf32, #tpu.memory_space<any>> -> memref<32768xf32, #tpu.memory_space<any>>
    tpu.wait_dma2 semaphore(%arg3 : memref<!tpu.dma_semaphore, #tpu.memory_space<semaphore_mem>>) src(%dma_wait3A_119 : memref<32768xf32, #tpu.memory_space<any>>) dst(%dma_wait3A_118 : memref<32768xf32, #tpu.memory_space<vmem>>)
    %dma_wait3A_120 = arith.constant 2 : i32
    %dma_wait3A_121 = arith.constant 0 : i32
    %dma_wait3A_122 = tpu.memref_slice %arg2[%dma_wait3A_120, %dma_wait3A_121] : memref<16x32768xf32, #tpu.memory_space<vmem>> -> memref<1x32768xf32, #tpu.memory_space<vmem>>
    %dma_wait3A_123 = tpu.memref_squeeze %dma_wait3A_122 : memref<1x32768xf32, #tpu.memory_space<vmem>> -> memref<32768xf32, #tpu.memory_space<vmem>>
    %dma_wait3A_124 = tpu.memref_slice %arg1[%add3A_5] : memref<8034304xf32, #tpu.memory_space<any>> -> memref<32768xf32, #tpu.memory_space<any>>
    tpu.wait_dma2 semaphore(%arg3 : memref<!tpu.dma_semaphore, #tpu.memory_space<semaphore_mem>>) src(%dma_wait3A_124 : memref<32768xf32, #tpu.memory_space<any>>) dst(%dma_wait3A_123 : memref<32768xf32, #tpu.memory_space<vmem>>)
    %dma_wait3A_125 = arith.constant 3 : i32
    %dma_wait3A_126 = arith.constant 0 : i32
    %dma_wait3A_127 = tpu.memref_slice %arg2[%dma_wait3A_125, %dma_wait3A_126] : memref<16x32768xf32, #tpu.memory_space<vmem>> -> memref<1x32768xf32, #tpu.memory_space<vmem>>
    %dma_wait3A_128 = tpu.memref_squeeze %dma_wait3A_127 : memref<1x32768xf32, #tpu.memory_space<vmem>> -> memref<32768xf32, #tpu.memory_space<vmem>>
    %dma_wait3A_129 = tpu.memref_slice %arg1[%add3A_7] : memref<8034304xf32, #tpu.memory_space<any>> -> memref<32768xf32, #tpu.memory_space<any>>
    tpu.wait_dma2 semaphore(%arg3 : memref<!tpu.dma_semaphore, #tpu.memory_space<semaphore_mem>>) src(%dma_wait3A_129 : memref<32768xf32, #tpu.memory_space<any>>) dst(%dma_wait3A_128 : memref<32768xf32, #tpu.memory_space<vmem>>)
    %dma_wait3A_130 = arith.constant 4 : i32
    %dma_wait3A_131 = arith.constant 0 : i32
    %dma_wait3A_132 = tpu.memref_slice %arg2[%dma_wait3A_130, %dma_wait3A_131] : memref<16x32768xf32, #tpu.memory_space<vmem>> -> memref<1x32768xf32, #tpu.memory_space<vmem>>
    %dma_wait3A_133 = tpu.memref_squeeze %dma_wait3A_132 : memref<1x32768xf32, #tpu.memory_space<vmem>> -> memref<32768xf32, #tpu.memory_space<vmem>>
    %dma_wait3A_134 = tpu.memref_slice %arg1[%add3A_9] : memref<8034304xf32, #tpu.memory_space<any>> -> memref<32768xf32, #tpu.memory_space<any>>
    tpu.wait_dma2 semaphore(%arg3 : memref<!tpu.dma_semaphore, #tpu.memory_space<semaphore_mem>>) src(%dma_wait3A_134 : memref<32768xf32, #tpu.memory_space<any>>) dst(%dma_wait3A_133 : memref<32768xf32, #tpu.memory_space<vmem>>)
    %dma_wait3A_135 = arith.constant 5 : i32
    %dma_wait3A_136 = arith.constant 0 : i32
    %dma_wait3A_137 = tpu.memref_slice %arg2[%dma_wait3A_135, %dma_wait3A_136] : memref<16x32768xf32, #tpu.memory_space<vmem>> -> memref<1x32768xf32, #tpu.memory_space<vmem>>
    %dma_wait3A_138 = tpu.memref_squeeze %dma_wait3A_137 : memref<1x32768xf32, #tpu.memory_space<vmem>> -> memref<32768xf32, #tpu.memory_space<vmem>>
    %dma_wait3A_139 = tpu.memref_slice %arg1[%add3A_11] : memref<8034304xf32, #tpu.memory_space<any>> -> memref<32768xf32, #tpu.memory_space<any>>
    tpu.wait_dma2 semaphore(%arg3 : memref<!tpu.dma_semaphore, #tpu.memory_space<semaphore_mem>>) src(%dma_wait3A_139 : memref<32768xf32, #tpu.memory_space<any>>) dst(%dma_wait3A_138 : memref<32768xf32, #tpu.memory_space<vmem>>)
    %dma_wait3A_140 = arith.constant 6 : i32
    %dma_wait3A_141 = arith.constant 0 : i32
    %dma_wait3A_142 = tpu.memref_slice %arg2[%dma_wait3A_140, %dma_wait3A_141] : memref<16x32768xf32, #tpu.memory_space<vmem>> -> memref<1x32768xf32, #tpu.memory_space<vmem>>
    %dma_wait3A_143 = tpu.memref_squeeze %dma_wait3A_142 : memref<1x32768xf32, #tpu.memory_space<vmem>> -> memref<32768xf32, #tpu.memory_space<vmem>>
    %dma_wait3A_144 = tpu.memref_slice %arg1[%add3A_13] : memref<8034304xf32, #tpu.memory_space<any>> -> memref<32768xf32, #tpu.memory_space<any>>
    tpu.wait_dma2 semaphore(%arg3 : memref<!tpu.dma_semaphore, #tpu.memory_space<semaphore_mem>>) src(%dma_wait3A_144 : memref<32768xf32, #tpu.memory_space<any>>) dst(%dma_wait3A_143 : memref<32768xf32, #tpu.memory_space<vmem>>)
    %dma_wait3A_145 = arith.constant 7 : i32
    %dma_wait3A_146 = arith.constant 0 : i32
    %dma_wait3A_147 = tpu.memref_slice %arg2[%dma_wait3A_145, %dma_wait3A_146] : memref<16x32768xf32, #tpu.memory_space<vmem>> -> memref<1x32768xf32, #tpu.memory_space<vmem>>
    %dma_wait3A_148 = tpu.memref_squeeze %dma_wait3A_147 : memref<1x32768xf32, #tpu.memory_space<vmem>> -> memref<32768xf32, #tpu.memory_space<vmem>>
    %dma_wait3A_149 = tpu.memref_slice %arg1[%add3A_15] : memref<8034304xf32, #tpu.memory_space<any>> -> memref<32768xf32, #tpu.memory_space<any>>
    tpu.wait_dma2 semaphore(%arg3 : memref<!tpu.dma_semaphore, #tpu.memory_space<semaphore_mem>>) src(%dma_wait3A_149 : memref<32768xf32, #tpu.memory_space<any>>) dst(%dma_wait3A_148 : memref<32768xf32, #tpu.memory_space<vmem>>)
    %dma_wait3A_150 = arith.constant 8 : i32
    %dma_wait3A_151 = arith.constant 0 : i32
    %dma_wait3A_152 = tpu.memref_slice %arg2[%dma_wait3A_150, %dma_wait3A_151] : memref<16x32768xf32, #tpu.memory_space<vmem>> -> memref<1x32768xf32, #tpu.memory_space<vmem>>
    %dma_wait3A_153 = tpu.memref_squeeze %dma_wait3A_152 : memref<1x32768xf32, #tpu.memory_space<vmem>> -> memref<32768xf32, #tpu.memory_space<vmem>>
    %dma_wait3A_154 = tpu.memref_slice %arg1[%add3A_17] : memref<8034304xf32, #tpu.memory_space<any>> -> memref<32768xf32, #tpu.memory_space<any>>
    tpu.wait_dma2 semaphore(%arg3 : memref<!tpu.dma_semaphore, #tpu.memory_space<semaphore_mem>>) src(%dma_wait3A_154 : memref<32768xf32, #tpu.memory_space<any>>) dst(%dma_wait3A_153 : memref<32768xf32, #tpu.memory_space<vmem>>)
    %dma_wait3A_155 = arith.constant 9 : i32
    %dma_wait3A_156 = arith.constant 0 : i32
    %dma_wait3A_157 = tpu.memref_slice %arg2[%dma_wait3A_155, %dma_wait3A_156] : memref<16x32768xf32, #tpu.memory_space<vmem>> -> memref<1x32768xf32, #tpu.memory_space<vmem>>
    %dma_wait3A_158 = tpu.memref_squeeze %dma_wait3A_157 : memref<1x32768xf32, #tpu.memory_space<vmem>> -> memref<32768xf32, #tpu.memory_space<vmem>>
    %dma_wait3A_159 = tpu.memref_slice %arg1[%add3A_19] : memref<8034304xf32, #tpu.memory_space<any>> -> memref<32768xf32, #tpu.memory_space<any>>
    tpu.wait_dma2 semaphore(%arg3 : memref<!tpu.dma_semaphore, #tpu.memory_space<semaphore_mem>>) src(%dma_wait3A_159 : memref<32768xf32, #tpu.memory_space<any>>) dst(%dma_wait3A_158 : memref<32768xf32, #tpu.memory_space<vmem>>)
    %dma_wait3A_160 = arith.constant 10 : i32
    %dma_wait3A_161 = arith.constant 0 : i32
    %dma_wait3A_162 = tpu.memref_slice %arg2[%dma_wait3A_160, %dma_wait3A_161] : memref<16x32768xf32, #tpu.memory_space<vmem>> -> memref<1x32768xf32, #tpu.memory_space<vmem>>
    %dma_wait3A_163 = tpu.memref_squeeze %dma_wait3A_162 : memref<1x32768xf32, #tpu.memory_space<vmem>> -> memref<32768xf32, #tpu.memory_space<vmem>>
    %dma_wait3A_164 = tpu.memref_slice %arg1[%add3A_21] : memref<8034304xf32, #tpu.memory_space<any>> -> memref<32768xf32, #tpu.memory_space<any>>
    tpu.wait_dma2 semaphore(%arg3 : memref<!tpu.dma_semaphore, #tpu.memory_space<semaphore_mem>>) src(%dma_wait3A_164 : memref<32768xf32, #tpu.memory_space<any>>) dst(%dma_wait3A_163 : memref<32768xf32, #tpu.memory_space<vmem>>)
    %dma_wait3A_165 = arith.constant 11 : i32
    %dma_wait3A_166 = arith.constant 0 : i32
    %dma_wait3A_167 = tpu.memref_slice %arg2[%dma_wait3A_165, %dma_wait3A_166] : memref<16x32768xf32, #tpu.memory_space<vmem>> -> memref<1x32768xf32, #tpu.memory_space<vmem>>
    %dma_wait3A_168 = tpu.memref_squeeze %dma_wait3A_167 : memref<1x32768xf32, #tpu.memory_space<vmem>> -> memref<32768xf32, #tpu.memory_space<vmem>>
    %dma_wait3A_169 = tpu.memref_slice %arg1[%add3A_23] : memref<8034304xf32, #tpu.memory_space<any>> -> memref<32768xf32, #tpu.memory_space<any>>
    tpu.wait_dma2 semaphore(%arg3 : memref<!tpu.dma_semaphore, #tpu.memory_space<semaphore_mem>>) src(%dma_wait3A_169 : memref<32768xf32, #tpu.memory_space<any>>) dst(%dma_wait3A_168 : memref<32768xf32, #tpu.memory_space<vmem>>)
    %dma_wait3A_170 = arith.constant 12 : i32
    %dma_wait3A_171 = arith.constant 0 : i32
    %dma_wait3A_172 = tpu.memref_slice %arg2[%dma_wait3A_170, %dma_wait3A_171] : memref<16x32768xf32, #tpu.memory_space<vmem>> -> memref<1x32768xf32, #tpu.memory_space<vmem>>
    %dma_wait3A_173 = tpu.memref_squeeze %dma_wait3A_172 : memref<1x32768xf32, #tpu.memory_space<vmem>> -> memref<32768xf32, #tpu.memory_space<vmem>>
    %dma_wait3A_174 = tpu.memref_slice %arg1[%add3A_25] : memref<8034304xf32, #tpu.memory_space<any>> -> memref<32768xf32, #tpu.memory_space<any>>
    tpu.wait_dma2 semaphore(%arg3 : memref<!tpu.dma_semaphore, #tpu.memory_space<semaphore_mem>>) src(%dma_wait3A_174 : memref<32768xf32, #tpu.memory_space<any>>) dst(%dma_wait3A_173 : memref<32768xf32, #tpu.memory_space<vmem>>)
    %dma_wait3A_175 = arith.constant 13 : i32
    %dma_wait3A_176 = arith.constant 0 : i32
    %dma_wait3A_177 = tpu.memref_slice %arg2[%dma_wait3A_175, %dma_wait3A_176] : memref<16x32768xf32, #tpu.memory_space<vmem>> -> memref<1x32768xf32, #tpu.memory_space<vmem>>
    %dma_wait3A_178 = tpu.memref_squeeze %dma_wait3A_177 : memref<1x32768xf32, #tpu.memory_space<vmem>> -> memref<32768xf32, #tpu.memory_space<vmem>>
    %dma_wait3A_179 = tpu.memref_slice %arg1[%add3A_27] : memref<8034304xf32, #tpu.memory_space<any>> -> memref<32768xf32, #tpu.memory_space<any>>
    tpu.wait_dma2 semaphore(%arg3 : memref<!tpu.dma_semaphore, #tpu.memory_space<semaphore_mem>>) src(%dma_wait3A_179 : memref<32768xf32, #tpu.memory_space<any>>) dst(%dma_wait3A_178 : memref<32768xf32, #tpu.memory_space<vmem>>)
    %dma_wait3A_180 = arith.constant 14 : i32
    %dma_wait3A_181 = arith.constant 0 : i32
    %dma_wait3A_182 = tpu.memref_slice %arg2[%dma_wait3A_180, %dma_wait3A_181] : memref<16x32768xf32, #tpu.memory_space<vmem>> -> memref<1x32768xf32, #tpu.memory_space<vmem>>
    %dma_wait3A_183 = tpu.memref_squeeze %dma_wait3A_182 : memref<1x32768xf32, #tpu.memory_space<vmem>> -> memref<32768xf32, #tpu.memory_space<vmem>>
    %dma_wait3A_184 = tpu.memref_slice %arg1[%add3A_29] : memref<8034304xf32, #tpu.memory_space<any>> -> memref<32768xf32, #tpu.memory_space<any>>
    tpu.wait_dma2 semaphore(%arg3 : memref<!tpu.dma_semaphore, #tpu.memory_space<semaphore_mem>>) src(%dma_wait3A_184 : memref<32768xf32, #tpu.memory_space<any>>) dst(%dma_wait3A_183 : memref<32768xf32, #tpu.memory_space<vmem>>)
    %dma_wait3A_185 = arith.constant 15 : i32
    %dma_wait3A_186 = arith.constant 0 : i32
    %dma_wait3A_187 = tpu.memref_slice %arg2[%dma_wait3A_185, %dma_wait3A_186] : memref<16x32768xf32, #tpu.memory_space<vmem>> -> memref<1x32768xf32, #tpu.memory_space<vmem>>
    %dma_wait3A_188 = tpu.memref_squeeze %dma_wait3A_187 : memref<1x32768xf32, #tpu.memory_space<vmem>> -> memref<32768xf32, #tpu.memory_space<vmem>>
    %dma_wait3A_189 = tpu.memref_slice %arg1[%add3A_31] : memref<8034304xf32, #tpu.memory_space<any>> -> memref<32768xf32, #tpu.memory_space<any>>
    tpu.wait_dma2 semaphore(%arg3 : memref<!tpu.dma_semaphore, #tpu.memory_space<semaphore_mem>>) src(%dma_wait3A_189 : memref<32768xf32, #tpu.memory_space<any>>) dst(%dma_wait3A_188 : memref<32768xf32, #tpu.memory_space<vmem>>)
    return
  }
  func.func @transform_1(%arg0: i32) -> (i32, i32) {
    %c0_i32 = arith.constant 0 : i32
    %c0_i32_0 = arith.constant 0 : i32
    return %c0_i32, %arg0 : i32, i32
  }
}

</mosaic_0001>

<sc_bundles>
// kernel: kernel.4.cloned.1.call-start
scs
__scs_entry_jumppad:
0x0: {  	(pc) =	sbr.rel $0x88, $3  }
0x1: {  	(tag) =	ssettag $0x0;
	lr =	simm.s32 $0x1  }
0x2: {  	[smem:$0x3FA0] =	sst lr;
	_ =	strace $0xD0000000  }
0x3: {  	_ = 	snop  }
0x4: {  	_ = 	snop  }
0x5: {  	_ = 	snop  }
0x6: {  	_ = 	snop  }
0x7: {  	_ = 	snop  }
__scs_overlays_trampoline_lowered:
0x8: {  	[smem:$0x3FAF] =	sst s0  }
0x9: {  	[smem:$0x3FB0] =	sst s1  }
0xa: {  	[smem:$0x3FB1] =	sst s2  }
0xb: {  	[smem:$0x3FB2] =	sst s3  }
0xc: {  	[smem:$0x3FB3] =	sst s4  }
0xd: {  	[smem:$0x3FB4] =	sst s5  }
0xe: {  	[smem:$0x3FB5] =	sst s6  }
0xf: {  	[smem:$0x3FB6] =	sst s7  }
0x10: {  	[smem:$0x3FB7] =	sst s8  }
0x11: {  	[smem:$0x3FB8] =	sst s9;
	s0 =	simm.s32 @!p0 $0x0  }
0x12: {  	s1 =	sld [smem:$0x3F9E];
	s0 =	simm.s32 @p0 $0x1  }
0x13: {  	[smem:$0x3FB9] =	sst s0;
	s0 =	simm.s32 @!p1 $0x0  }
0x14: {  	s2 =	sld [smem:$0x3F9D];
	s0 =	simm.s32 @p1 $0x1  }
0x15: {  	[smem:$0x3FBA] =	sst s0;
	s0 =	simm.s32 @!p2 $0x0  }
0x16: {  	s3 =	sld [smem:$0x3FDB];
	s0 =	simm.s32 @p2 $0x1  }
0x17: {  	s4 =	simm.s32 $0x1BF5;
	[smem:$0x3FBC] =	sst s0  }
0x18: {  	s0 =	sld [smem:$0x3F9F];
	_ =	swait.ge [sflag:s4], $0x0  }
0x19: {  	s7 =	sld [smem:$0x3FA0]  }
0x1a: {  	s8 =	sadd.s32 $0xFFFFE003, lr  }
0x1b: {  	s9 =	sadd.s32 $0xFFFFFEF7, lr;
	s5 =	simm.s32 $0xFFFFFFFF;
	p2 =	slt.u32 s8, $0xFFFFF086  }
0x1c: {  	p1 =	slt.u32 s9, $0xF7A;
	s5 =	simm.s32 @!p2 $0x0  }
0x1d: {  	s5 =	simm.s32 @p1 $0x1;
	p0 =	seq.s32 s7, s2  }
0x1e: {  	s7 =	smul.u32 @!p0 $0xF7A, s2;
	p2 =	seq.s32 @!p0 s5, $0x0  }
0x1f: {  	s9 =	smul.u32 $0xF7A, s1;
	s8 =	simm.s32 @!p0 $0x1BF5;
	p2 =	por !p2, p0  }
0x20: {  	[sflag:s8] =	ssyncset.s32 @!p0 $0xFFFFF086;
	s6 =	sadd.s32 @!p0 s3, s7;
	s7 =	simm.s32 @!p0 $0x108  }
0x21: {  	s3 =	sadd.s32 s3, s9;
	s6 =	sadd.s32 @!p0 $0x88, s6;
	s7 =	simm.s32 @p2 $0x1082  }
0x22: {  	[simem:s7], [sflag:s8] =	dma.local @!p0 [hbm:s6], $0xF7A  }
0x23: {  	s9 =	sor.u32 $0xD0000000, s2;
	s6 =	simm.s32 $0x108;
	_ =	swait.ge @!p0 [sflag:s8], $0x0  }
0x24: {  	s3 =	sadd.s32 $0x88, s3;
	s6 =	simm.s32 @!p1 $0x1082;
	[sflag:s4] =	ssyncset.s32 $0xFFFFF086  }
0x25: {  	[simem:s6], [sflag:s4] =	dma.local [hbm:s3], $0xF7A  }
0x26: {  	[smem:$0x3FA0] =	sst s1;
	(tag) =	ssettag s2;
	_ =	strace s9  }
0x27: {  	s1 =	sld [smem:$0x3FB0]  }
0x28: {  	s2 =	sld [smem:$0x3FB1]  }
0x29: {  	s4 =	sld [smem:$0x3FB3]  }
0x2a: {  	p0 =	seq.s32 s5, $0x0;
	s5 =	sld [smem:$0x3FB4]  }
0x2b: {  	s6 =	sld [smem:$0x3FB5]  }
0x2c: {  	s7 =	sld [smem:$0x3FB6]  }
0x2d: {  	s3 =	simm.s32 $0x108;
	s8 =	sld [smem:$0x3FB7]  }
0x2e: {  	s3 =	simm.s32 @!p0 $0x1082;
	s9 =	sld [smem:$0x3FB8]  }
0x2f: {  	lr =	sadd.s32 s0, s3;
	s0 =	sld [smem:$0x3FAF]  }
0x30: {  	s3 =	sld [smem:$0x3FB2]  }
0x31: {  	[smem:$0x3FBB] =	sst s10  }
0x32: {  	s10 =	sld [smem:$0x3FB9];
	_ =	sdelay $0x3  }
0x33: {  	p0 =	seq.s32 s10, $0x1;
	s10 =	sld [smem:$0x3FBB];
	_ =	sdelay $0x3  }
0x34: {  	[smem:$0x3FBB] =	sst s10  }
0x35: {  	s10 =	sld [smem:$0x3FBA];
	_ =	sdelay $0x3  }
0x36: {  	p1 =	seq.s32 s10, $0x1;
	s10 =	sld [smem:$0x3FBB];
	_ =	sdelay $0x3  }
0x37: {  	[smem:$0x3FBB] =	sst s10  }
0x38: {  	s10 =	sld [smem:$0x3FBC]  }
0x39: {  	_ = 	snop;
	(pc) =	sbr.ind lr, $3  }
0x3a: {  	_ = 	snop  }
0x3b: {  	_ = 	snop  }
0x3c: {  	p2 =	seq.s32 s10, $0x1;
	s10 =	sld [smem:$0x3FBB]  }
0x3d: {  	_ =	shalt  }
0x3e: {  	_ =	shalt  }
0x3f: {  	_ =	shalt  }
0x40: {  	_ =	shalt  }
0x41: {  	_ =	shalt  }
0x42: {  	_ =	shalt  }
0x43: {  	_ =	shalt  }
0x44: {  	_ =	shalt  }
0x45: {  	_ =	shalt  }
0x46: {  	_ =	shalt  }
0x47: {  	_ =	shalt  }
0x48: {  	_ =	shalt  }
0x49: {  	_ =	shalt  }
0x4a: {  	_ =	shalt  }
0x4b: {  	_ =	shalt  }
0x4c: {  	_ =	shalt  }
0x4d: {  	_ =	shalt  }
0x4e: {  	_ =	shalt  }
0x4f: {  	_ =	shalt  }
0x50: {  	_ =	shalt  }
0x51: {  	_ =	shalt  }
0x52: {  	_ =	shalt  }
0x53: {  	_ =	shalt  }
0x54: {  	_ =	shalt  }
0x55: {  	_ =	shalt  }
0x56: {  	_ =	shalt  }
0x57: {  	_ =	shalt  }
0x58: {  	_ =	shalt  }
0x59: {  	_ =	shalt  }
0x5a: {  	_ =	shalt  }
0x5b: {  	_ =	shalt  }
0x5c: {  	_ =	shalt  }
0x5d: {  	_ =	shalt  }
0x5e: {  	_ =	shalt  }
0x5f: {  	_ =	shalt  }
0x60: {  	_ =	shalt  }
0x61: {  	_ =	shalt  }
0x62: {  	_ =	shalt  }
0x63: {  	_ =	shalt  }
0x64: {  	_ =	shalt  }
0x65: {  	_ =	shalt  }
0x66: {  	_ =	shalt  }
0x67: {  	_ =	shalt  }
0x68: {  	_ =	shalt  }
0x69: {  	_ =	shalt  }
0x6a: {  	_ =	shalt  }
0x6b: {  	_ =	shalt  }
0x6c: {  	_ =	shalt  }
0x6d: {  	_ =	shalt  }
0x6e: {  	_ =	shalt  }
0x6f: {  	_ =	shalt  }
0x70: {  	_ =	shalt  }
0x71: {  	_ =	shalt  }
0x72: {  	_ =	shalt  }
0x73: {  	_ =	shalt  }
0x74: {  	_ =	shalt  }
0x75: {  	_ =	shalt  }
0x76: {  	_ =	shalt  }
0x77: {  	_ =	shalt  }
0x78: {  	_ =	shalt  }
0x79: {  	_ =	shalt  }
0x7a: {  	_ =	shalt  }
0x7b: {  	_ =	shalt  }
0x7c: {  	_ =	shalt  }
0x7d: {  	_ =	shalt  }
0x7e: {  	_ =	shalt  }
0x7f: {  	_ =	shalt  }
0x80: {  	_ =	shalt  }
0x81: {  	_ =	shalt  }
0x82: {  	_ =	shalt  }
0x83: {  	_ =	shalt  }
0x84: {  	_ =	shalt  }
0x85: {  	_ =	shalt  }
0x86: {  	_ =	shalt  }
0x87: {  	_ =	shalt  }
.Lfunc_end0:
.L_simem_size_0:
called_computation_lowered:
.L_overlay_start_0:
0x88: {  	s2 =	sld [smem:$0x3FD9]  }
0x89: {  	s3 =	sld [smem:$0x3FFE];
	_ =	sdelay $0x1  }
0x8a: {  	s1 =	srdreg.scid  }
0x8b: {  	s0 =	sand.u32 $0x1, s1  }
0x8c: {  	s17 =	sshll.u32 s0, $0xA;
	s2 =	sadd.s32 s3, s2  }
0x8d: {  	s2 =	sadd.s32 s2, s17  }
0x8e: {  	[smem:$0x3FC7] =	sst s2  }
0x8f: {  	_ = 	snop  }
0x90: {  	s2 =	sld [smem:$0x3FC9];
	(tm) =	ssettm $0x1  }
0x91: {  	s18 =	sld [smem:$0x3FFB];
	_ =	sdelay $0x3  }
0x92: {  	_ =	strace s18  }
0x93: {  	s3 =	sld [smem:$0x3FFC];
	_ =	sdelay $0x3  }
0x94: {  	_ =	strace s3  }
0x95: {  	s3 =	sld [smem:$0x3FFD];
	_ =	sdelay $0x3  }
0x96: {  	_ =	strace s3  }
0x97: {  	_ =	strace $0x8FFFFFFF  }
0x98: {  	s19 =	sld [smem:$0x3FDB];
	_ =	sdelay $0x1  }
0x99: {  	s4 =	simm.s32 $_scs_section_size  }
0x9a: {  	s5 =	simm.s32 $_size__tile_overlayer_lowered;
	s6 =	simm.s32 $_tile_overlayer_lowered  }
0x9b: {  	s22 =	simm.s32 $0x1BFF;
	s21 =	sshll.u32 s6, $0x1;
	s3 =	sadd.s32 s4, s19  }
0x9c: {  	s7 =	simm.s32 $0x0;
	s20 =	sshll.u32 s5, $0x1;
	s5 =	sadd.s32 s21, s3  }
0x9d: {  	[timem:s7], [sflag:s22] =	dma.local [hbm:s5], s20  }
0x9e: {  	_ =	swait.ge [sflag:s22], s20  }
0x9f: {  	s4 =	ssub.s32 $0x0, s20;
	[sflag:s22] =	ssyncset.done $0x0  }
0xa0: {  	[sflag:s22] =	ssyncadd.s32 s4;
	_ =	sdelay $0x1  }
0xa1: {  	s23 =	simm.s32 $0x1B8B  }
0xa2: {  	_ =	swait.ge [sflag:s23], $0x1  }
0xa3: {  	[sflag:s23] =	ssyncset.done $0x0  }
0xa4: {  	s25 =	simm.s32 $0x1B8E;
	s24 =	sld [smem:$0x3FFE];
	[sflag:s23] =	ssyncadd.s32 $0xFFFFFFFF  }
0xa5: {  	s26 =	simm.s32 $execute0_lowered;
	[smem:$0x3FD2] =	sst s25  }
0xa6: {  	s5 =	sshll.u32 s26, $0x1;
	_ =	strace $0x80000046;
	[dreg:$0x1] =	wrdreg $0xFFFFFFFF  }
0xa7: {  	s28 =	simm.s32 $_size_execute0_lowered;
	s3 =	sadd.s32 s3, s5;
	[dreg:$0x0] =	wrdreg $0x0  }
0xa8: {  	s5 =	sshll.u32 s28, $0x1;
	[dreg:$0x2] =	wrdreg s3  }
0xa9: {  	[dreg:$0x3] =	wrdreg s5  }
0xaa: {  	[dreg:$0x4] =	wrdreg $0xC0  }
0xab: {  	_ =	task [dreg:s7], $0x5FFFF  }
0xac: {  	[dreg:$0x1] =	wrdreg $0xFFFFFFFF  }
0xad: {  	[dreg:$0x0] =	wrdreg $0x60  }
0xae: {  	[dreg:$0x2] =	wrdreg s2  }
0xaf: {  	[dreg:$0x3] =	wrdreg s24  }
0xb0: {  	[dreg:$0x4] =	wrdreg $0x9  }
0xb1: {  	_ =	task.clear_ibuf [dreg:s7], $0x5FFFF;
	_ =	strace $0x90000046  }
0xb2: {  	s29 =	simm.s32 $0x9;
	_ =	strace $0x80000048  }
0xb3: {  	_ =	swait.ge [sflag:s29], $0x1  }
0xb4: {  	[sflag:s29] =	ssyncadd.s32 $0xFFFFFFFF  }
0xb5: {  	_ =	strace $0x90000048  }
0xb6: {  	_ =	sfence  }
0xb7: {  	s30 =	sld [smem:$0x0];
	_ =	sdelay $0x2  }
0xb8: {  	s31 =	sshll.u32 s1, $0xD;
	s1 =	sshrl.u32 s1, $0x2  }
0xb9: {  	s3 =	sand.u32 $0x4000, s31;
	s1 =	sadd.s32 s1, s30  }
0xba: {  	s0 =	sor.u32 s3, s0;
	s1 =	sshll.u32 s1, $0x11  }
0xbb: {  	s0 =	sor.u32 s1, s0  }
0xbc: {  	s0 =	sadd.s32 $0x8F2B, s0  }
0xbd: {  	[sflag:s0] =	ssyncadd.remote.s32 $0x1  }
0xbe: {  	_ =	sfence.sel $0xFFFF  }
0xbf: {  	[dreg:$0x0] =	wrdreg $0xFFFFFFFF;
	(pc) =	sbr.abs _section_cstart, $3  }
0xc0: {  	[dreg:$0x1] =	wrdreg $0xFFFFFFFF  }
0xc1: {  	_ =	task.clear_ibuf [dreg:s7], $0x2FFFF;
	_ =	strace $0x9FFFFFFF  }
0xc2: {  	(tm) =	ssettm $0x7FFFFFFF  }
0xc3: {  	_ =	shalt  }
tec
execute0_lowered:
.L_overlay_start_1:
0x0: {  	(tag) =	ssettag $0x1  }
0x1: {  	s0 =	srdreg.scid  }
0x2: {  	s8 =	stileid.u32;
	s3 =	rddreg [dreg:$0x0];
	s2 =	simm.s32 $0x0  }
0x3: {  	s0 =	sand.u32 $0x1, s0;
	s1 =	sshll.u32 s8, $0x1;
	s22 =	smul.u32 $0x7A20, s8  }
0x4: {  	s1 =	sor.u32 s0, s1;
	s6 =	ssub.s32 $0x2, s0;
	s0 =	smul.u32 $0x3D10, s0  }
0x5: {  	[smem:$0x7FF] =	sst s2;
	s1 =	smul.u32 $0x3D10, s1  }
0x6: {  	s4 =	rddreg [dreg:$0x1];
	s30 =	simm.s32 $0x1;
	_ =	strace $0x80000047  }
0x7: {  	s7 =	sshrl.u32 s6, $0x1;
	s0 =	sadd.s32 s0, s22;
	s1 =	smin.u32 s1, $0x76470  }
0x8: {  	s9 =	ssub.s32 s6, s7;
	s0 =	smin.u32 s0, $0x76470;
	s5 =	sshll.u32 s1, $0x1  }
0x9: {  	s1 =	sshrl.u32 s1, $0x3;
	s0 =	sshll.u32 s0, $0x1;
	s5 =	smin.u32 s5, $0xEC7D0  }
0xa: {  	s1 =	sadd.s32 s1, s4;
	s31 =	smin.u32 s0, $0xEC7D0;
	s5 =	sshrl.u32 s5, $0x3  }
0xb: {  	s20 =	sadd.s32 $0x400, s1;
	s21 =	sadd.s32 $0xF830, s1;
	s23 =	sadd.s32 $0x1EC60, s1  }
0xc: {  	s24 =	sadd.s32 $0x2E090, s1;
	s25 =	sadd.s32 $0x3D4C0, s1;
	s26 =	sadd.s32 $0x4C8F0, s1  }
0xd: {  	s10 =	sadd.s32 $0x5BD20, s1;
	s11 =	sadd.s32 $0x6B150, s1;
	s12 =	sadd.s32 $0x7A580, s1  }
0xe: {  	s13 =	sadd.s32 $0x899B0, s1;
	s14 =	sadd.s32 $0x98DE0, s1;
	[dreg:$0x4] =	wrdreg s20  }
0xf: {  	s15 =	sadd.s32 $0xA8210, s1;
	s16 =	sadd.s32 $0xB7640, s1;
	[dreg:$0x5] =	wrdreg s21  }
0x10: {  	s17 =	sadd.s32 $0xC6A70, s1;
	s18 =	sadd.s32 $0xD5EA0, s1;
	[dreg:$0x6] =	wrdreg s23  }
0x11: {  	s19 =	sadd.s32 $0xE52D0, s1;
	s0 =	ssub.s32 s0, s31;
	[dreg:$0x7] =	wrdreg s24  }
0x12: {  	s1 =	simm.s32 $0x2;
	s3 =	sadd.s32 s3, s5;
	[dreg:$0x8] =	wrdreg s25  }
0x13: {  	[dreg:$0x9] =	wrdreg s26;
	s20 =	smax.u32 s9, $0x1;
	s21 =	sadd.s32 $0xE0, s0  }
0x14: {  	v0 =	vlaneseq.u32;
	s22 =	sadd.s32 $0x7A00, s0;
	s23 =	sadd.s32 $0xE4, s0;
	s24 =	sadd.s32 $0x7A04, s0  }
0x15: {  	v0 =	vmul.u32 $0x2, v0;
	s25 =	sadd.s32 $0xE8, s0;
	s26 =	sadd.s32 $0x7A08, s0;
	s28 =	sadd.s32 $0xEC, s0  }
0x16: {  	s29 =	sadd.s32 $0x7A0C, s0;
	s0 =	simm.s32 $0x0;
	[dreg:$0x3] =	wrdreg s3  }
.LBB2_1:
0x17: {  	s3 =	sadd.s32 $0xFFFFFF40, s21;
	s4 =	sadd.s32 $0xFFFFFFE0, s21;
	v1 =	vadd.s32 s21, v0  }
0x18: {  	s6 =	sadd.s32 $0xFFFFFF60, s21;
	s5 =	sadd.s32 $0xFFFFFF80, s21;
	s7 =	sadd.s32 $0xFFFFFF20, s21;
	v2 =	vadd.s32 s3, v0;
	v3 =	vadd.s32 s4, v0;
	vm0 =	vlt.s32 v1, $0x7A6F  }
0x19: {  	s8 =	sadd.s32 $0xFFFFFFA0, s21;
	s9 =	sadd.s32 $0xFFFFFFC0, s21;
	v4 =	vadd.s32 s6, v0;
	v5 =	vadd.s32 s5, v0;
	v6 =	vadd.s32 s7, v0  }
0x1a: {  	v7 =	vadd.s32 s8, v0;
	v8 =	vadd.s32 s9, v0;
	vm1 =	vlt.s32 v3, $0x7A6F  }
0x1b: {  	s4 =	sadd.s32 $0x100, s21;
	vm2 =	vlt.s32 v2, $0x7A6F;
	vm3 =	vlt.s32 v4, $0x7A6F;
	vm4 =	vlt.s32 v5, $0x7A6F  }
0x1c: {  	s6 =	rddreg [dreg:$0x3];
	vm5 =	vlt.s32 v7, $0x7A6F;
	v9 =	vadd.s32 s4, v0;
	v3 =	vnsel vm1, $0x7A6F, v3  }
0x1d: {  	[tilespmem:s2], [sflag:$0x1] =	stream.linear.gather [hbm4b:s6+s2], $0x7A70, $0x38;
	v10 =	vnsel vm0, $0x7A6F, v1;
	vm1 =	vlt.s32 v6, $0x7A6F;
	v2 =	vnsel vm2, $0x7A6F, v2;
	[tilespmem:$0x17080] =	vst v63  }
0x1e: {  	s7 =	sadd.s32 $0xFFFFFF40, s4;
	s8 =	sadd.s32 $0xFFFFFFE0, s4;
	_ =	swait.ge [sflag:s30], $0x7A70;
	v4 =	vnsel vm3, $0x7A6F, v4;
	v5 =	vnsel vm4, $0x7A6F, v5;
	v7 =	vnsel vm5, $0x7A6F, v7  }
0x1f: {  	s9 =	sadd.s32 $0xFFFFFF60, s4;
	s6 =	sadd.s32 $0xFFFFFF80, s4;
	v1 =	vadd.s32 s7, v0;
	v11 =	vadd.s32 s8, v0;
	vm0 =	vlt.s32 v9, $0x7A6F;
	[sflag:s30] =	ssyncset.done $0x0  }
0x20: {  	s7 =	sadd.s32 $0xFFFFFF20, s4;
	v12 =	vadd.s32 s9, v0;
	v13 =	vadd.s32 s6, v0;
	s8 =	sadd.s32 $0xFFFFFFA0, s4;
	v6 =	vnsel vm1, $0x7A6F, v6;
	[sflag:s30] =	ssyncadd.s32 $0xFFFF8590  }
0x21: {  	vm1 =	vlt.s32 v8, $0x7A6F;
	v14 =	vadd.s32 s7, v0;
	v15 =	vadd.s32 s8, v0;
	v3 =	vld.idx.msk [tilespmem:v3+s2+$0x0], $0xffff  }
0x22: {  	s9 =	sadd.s32 $0xFFFFFFC0, s4;
	vm2 =	vlt.s32 v1, $0x7A6F;
	v8 =	vnsel vm1, $0x7A6F, v8;
	vm1 =	vlt.s32 v11, $0x7A6F;
	v17 =	vld.idx.msk [tilespmem:v2+s2+$0x0], $0xffff  }
0x23: {  	v16 =	vadd.s32 s9, v0;
	vm3 =	vlt.s32 v12, $0x7A6F;
	v11 =	vnsel vm1, $0x7A6F, v11;
	v4 =	vld.idx.msk [tilespmem:v4+s2+$0x0], $0xffff  }
0x24: {  	s4 =	sadd.s32 $0x100, s4;
	vm12 =	vlt.s32 v13, $0x7A6F;
	vm13 =	vlt.s32 v15, $0x7A6F;
	v12 =	vnsel vm3, $0x7A6F, v12;
	v5 =	vld.idx.msk [tilespmem:v5+s2+$0x0], $0xffff  }
0x25: {  	s7 =	sadd.s32 $0xFFFFFF40, s4;
	v18 =	vnsel vm2, $0x7A6F, v1;
	v19 =	vnsel vm12, $0x7A6F, v13;
	vm1 =	vlt.s32 v14, $0x7A6F;
	v6 =	vld.idx.msk [tilespmem:v6+s2+$0x0], $0xffff  }
0x26: {  	s3 =	simm.s32 $0x7AC0;
	s9 =	sadd.s32 $0xFFFFFF60, s4;
	v1 =	vadd.s32 s4, v0;
	v22 =	vadd.s32 s7, v0;
	s7 =	sadd.s32 $0xFFFFFF80, s4;
	v14 =	vnsel vm1, $0x7A6F, v14;
	v13 =	vld.idx.msk [tilespmem:v7+s2+$0x0], $0xffff  }
0x27: {  	s8 =	sadd.s32 $0xFFFFFFE0, s4;
	v24 =	vadd.s32 s9, v0;
	v20 =	vnsel vm13, $0x7A6F, v15;
	v25 =	vadd.s32 s7, v0;
	v23 =	vld.idx.msk [tilespmem:v8+s2+$0x0], $0xffff;
	[tilespmem:s3+$0x20] =	vst v3  }
0x28: {  	vm2 =	vlt.s32 v22, $0x7A6F;
	vm1 =	vlt.s32 v16, $0x7A6F;
	v7 =	vadd.s32 s8, v0;
	v21 =	vld.idx.msk [tilespmem:v11+s2+$0x0], $0xffff;
	[tilespmem:s3+$0xFFFFFFD0] =	vst v17  }
0x29: {  	s6 =	sadd.s32 $0xFFFFFF20, s4;
	vm3 =	vlt.s32 v24, $0x7A6F;
	v2 =	vnsel vm1, $0x7A6F, v16;
	vm1 =	vlt.s32 v7, $0x7A6F;
	v11 =	vld.idx.msk [tilespmem:v12+s2+$0x0], $0xffff;
	[tilespmem:s3+$0xFFFFFFE0] =	vst v4  }
0x2a: {  	s9 =	sadd.s32 $0xFFFFFFC0, s4;
	vm14 =	vlt.s32 v25, $0x7A6F;
	v8 =	vadd.s32 s6, v0;
	v15 =	vnsel vm1, $0x7A6F, v7;
	[tilespmem:s3+$0xFFFFFFC0] =	vst v6;
	v6 =	vld.idx.msk [tilespmem:v10+s2+$0x0], $0xffff  }
0x2b: {  	s8 =	sadd.s32 $0xFFFFFFA0, s4;
	v16 =	vadd.s32 s9, v0;
	vm1 =	vlt.s32 v8, $0x7A6F;
	v7 =	vld.idx.msk [tilespmem:v14+s2+$0x0], $0xffff;
	v3 =	vnsel vm0, $0x7A6F, v9;
	[tilespmem:s3+$0xFFFFFFF0] =	vst v5  }
0x2c: {  	vm0 =	vlt.s32 v1, $0x7A6F;
	v17 =	vadd.s32 s8, v0;
	v9 =	vld.idx.msk [tilespmem:v18+s2+$0x0], $0xffff;
	[tilespmem:s3+$0x0] =	vst v13;
	v13 =	vnsel vm1, $0x7A6F, v8  }
0x2d: {  	s31 =	simm.s32 $0x7B40;
	s5 =	simm.s32 $0x10;
	v12 =	vld.idx.msk [tilespmem:v19+s2+$0x0], $0xffff;
	v8 =	vnsel vm2, $0x7A6F, v22;
	vm1 =	vlt.s32 v16, $0x7A6F;
	vm15 =	vlt.s32 v17, $0x7A6F;
	[tilespmem:s3+$0x10] =	vst v23  }
0x2e: {  	s7 =	simm.s32 $0x0;
	s6 =	sadd.s32 $0x100, s4;
	s4 =	simm.s32 $0x0;
	v14 =	vld.idx.msk [tilespmem:v20+s2+$0x0], $0xffff;
	v5 =	vnsel vm14, $0x7A6F, v25;
	v10 =	vnsel vm3, $0x7A6F, v24;
	v4 =	vnsel vm15, $0x7A6F, v17;
	[tilespmem:s31+$0x20] =	vst v21  }
.LBB2_2:
0x2f: {  	s8 =	sadd.s32 $0xFFFFFF40, s6;
	s9 =	sadd.s32 $0xFFFFFFE0, s6;
	s5 =	sadd.s32 $0x8, s5;
	v16 =	vnsel vm1, $0x7A6F, v16;
	v17 =	vld.idx.msk [tilespmem:v15+s4+$0x0], $0xffff;
	v15 =	vnsel vm0, $0x7A6F, v1;
	v1 =	vadd.s32 s6, v0;
	[tilespmem:s3+$0x30] =	vst v6  }
0x30: {  	s3 =	sadd.s32 $0xFFFFFF60, s6;
	v18 =	vadd.s32 s8, v0;
	s8 =	sadd.s32 $0xFFFFFF80, s6;
	v19 =	vadd.s32 s9, v0;
	vm0 =	vlt.s32 v1, $0x7A6F;
	p0 =	slt.u32 s5, $0x3C8;
	[tilespmem:s31+$0xFFFFFFC0] =	vst v7;
	v20 =	vld.idx.msk [tilespmem:v2+s7+$0x0], $0xffff;
	v2 =	vmovc v16  }
0x31: {  	s9 =	sadd.s32 $0xFFFFFF20, s6;
	v21 =	vadd.s32 s3, v0;
	s3 =	sadd.s32 $0xFFFFFFA0, s6;
	v22 =	vadd.s32 s8, v0;
	s8 =	sadd.s32 $0xFFFFFFC0, s6;
	vm1 =	vlt.s32 v19, $0x7A6F;
	[tilespmem:s31+$0xFFFFFFD0] =	vst v9;
	v6 =	vld.idx.msk [tilespmem:v3+s7+$0x0], $0xffff;
	v3 =	vmovc v15  }
.Ltmp0:
0x32: {  	v23 =	vadd.s32 s9, v0;
	v24 =	vadd.s32 s3, v0;
	s3 =	smov.u32 s31;
	s7 =	smov.u32 s4;
	v15 =	vnsel vm1, $0x7A6F, v19;
	v7 =	vld.idx.msk [tilespmem:v13+s4+$0x0], $0xffff;
	[tilespmem:s31+$0xFFFFFFE0] =	vst v11;
	(pc) =	sbr.rel @p0 .LBB2_2-.Ltmp0, $4  }
0x33: {  	vm2 =	vlt.s32 v18, $0x7A6F;
	vm1 =	vlt.s32 v23, $0x7A6F;
	v16 =	vadd.s32 s8, v0;
	v9 =	vld.idx.msk [tilespmem:v8+s7+$0x0], $0xffff;
	[tilespmem:s31+$0xFFFFFFF0] =	vst v12  }
0x34: {  	vm3 =	vlt.s32 v21, $0x7A6F;
	vm4 =	vlt.s32 v22, $0x7A6F;
	vm5 =	vlt.s32 v24, $0x7A6F;
	s31 =	sadd.s32 $0x80, s31;
	v11 =	vld.idx.msk [tilespmem:v10+s7+$0x0], $0xffff;
	[tilespmem:s3+$0x0] =	vst v14  }
0x35: {  	v13 =	vnsel vm1, $0x7A6F, v23;
	v8 =	vnsel vm2, $0x7A6F, v18;
	vm1 =	vlt.s32 v16, $0x7A6F;
	v12 =	vld.idx.msk [tilespmem:v5+s7+$0x0], $0xffff;
	[tilespmem:s31+$0x20] =	vst v17  }
0x36: {  	s6 =	sadd.s32 $0x100, s6;
	s4 =	simm.s32 $0x0;
	v10 =	vnsel vm3, $0x7A6F, v21;
	v5 =	vnsel vm4, $0x7A6F, v22;
	v14 =	vld.idx.msk [tilespmem:v4+s7+$0x0], $0xffff;
	v4 =	vnsel vm5, $0x7A6F, v24;
	[tilespmem:s3+$0x10] =	vst v20  }
0x37: {  	_ =	sdelay $0x2  }
0x38: {  	[tilespmem:s3+$0x30] =	vst v6  }
0x39: {  	v61 =	vld.idx.msk [tilespmem:v15+s4+$0x0], $0xffff;
	[tilespmem:s31+$0xFFFFFFC0] =	vst v7  }
0x3a: {  	v2 =	vld.idx.msk [tilespmem:v2+s7+$0x0], $0xffff;
	[tilespmem:s31+$0xFFFFFFD0] =	vst v9  }
0x3b: {  	v3 =	vld.idx.msk [tilespmem:v3+s7+$0x0], $0xffff;
	[tilespmem:s31+$0xFFFFFFE0] =	vst v11  }
0x3c: {  	v62 =	vnsel vm1, $0x7A6F, v16;
	v63 =	vld.idx.msk [tilespmem:v13+s4+$0x0], $0xffff;
	[tilespmem:s31+$0xFFFFFFF0] =	vst v12  }
0x3d: {  	v1 =	vnsel vm0, $0x7A6F, v1;
	v8 =	vld.idx.msk [tilespmem:v8+s4+$0x0], $0xffff;
	s9 =	sadd.s32 $0x80, s31;
	[tilespmem:s31+$0x0] =	vst v14  }
0x3e: {  	v10 =	vld.idx.msk [tilespmem:v10+s4+$0x0], $0xffff;
	[tilespmem:s9+$0x20] =	vst v61  }
0x3f: {  	v5 =	vld.idx.msk [tilespmem:v5+s4+$0x0], $0xffff;
	[tilespmem:s31+$0x10] =	vst v2  }
0x40: {  	v2 =	vld.idx.msk [tilespmem:v4+s4+$0x0], $0xffff;
	[tilespmem:s31+$0x30] =	vst v3  }
0x41: {  	[tilespmem:s9+$0xFFFFFFC0] =	vst v63;
	v3 =	vld.idx.msk [tilespmem:v62+s4+$0x0], $0xffff  }
0x42: {  	[tilespmem:s9+$0xFFFFFFD0] =	vst v8;
	v1 =	vld.idx.msk [tilespmem:v1+s4+$0x0], $0xffff  }
0x43: {  	[tilespmem:s9+$0xFFFFFFE0] =	vst v10  }
0x44: {  	[tilespmem:s9+$0xFFFFFFF0] =	vst v5  }
0x45: {  	[tilespmem:s9+$0x0] =	vst v2  }
0x46: {  	[tilespmem:s9+$0x10] =	vst v3  }
0x47: {  	s3 =	smov.u32 s22;
	[tilespmem:s9+$0x30] =	vst v1  }
.LBB2_4:
0x48: {  	v1 =	vadd.s32 s3, v0  }
0x49: {  	vm0 =	vlt.s32 v1, $0x7A6F  }
0x4a: {  	v1 =	vnsel vm0, $0x7A6F, v1;
	_ =	sdelay $0x4  }
0x4b: {  	p0 =	sne.s32 s4, $0x80;
	v1 =	vld.idx.msk [tilespmem:v1+s2+$0x0], $0xffff  }
.Ltmp1:
0x4c: {  	_ = 	snop;
	(pc) =	sbr.rel @p0 .LBB2_4-.Ltmp1, $3  }
0x4d: {  	_ =	sdelay $0x1  }
0x4e: {  	s5 =	sshra.s32 s4, $0x2  }
0x4f: {  	s3 =	sadd.s32 $0x20, s3;
	s4 =	sadd.s32 $0x40, s4;
	[tilespmem:s5+$0xB780] =	vst v1  }
0x50: {  	s3 =	sadd.s32 $0xFFFFFF40, s23;
	s4 =	sadd.s32 $0xFFFFFFE0, s23;
	v1 =	vadd.s32 s23, v0  }
0x51: {  	s6 =	sadd.s32 $0xFFFFFF60, s23;
	s5 =	sadd.s32 $0xFFFFFF80, s23;
	s7 =	sadd.s32 $0xFFFFFF20, s23;
	v2 =	vadd.s32 s3, v0;
	v3 =	vadd.s32 s4, v0;
	vm0 =	vlt.s32 v1, $0x7A6F  }
0x52: {  	s8 =	sadd.s32 $0xFFFFFFA0, s23;
	s9 =	sadd.s32 $0xFFFFFFC0, s23;
	v4 =	vadd.s32 s6, v0;
	v5 =	vadd.s32 s5, v0;
	v6 =	vadd.s32 s7, v0  }
0x53: {  	v7 =	vadd.s32 s8, v0;
	v8 =	vadd.s32 s9, v0;
	vm1 =	vlt.s32 v3, $0x7A6F  }
0x54: {  	s3 =	sadd.s32 $0x100, s23;
	vm2 =	vlt.s32 v2, $0x7A6F;
	vm3 =	vlt.s32 v4, $0x7A6F;
	vm4 =	vlt.s32 v5, $0x7A6F  }
0x55: {  	vm5 =	vlt.s32 v7, $0x7A6F;
	v9 =	vadd.s32 s3, v0;
	v3 =	vnsel vm1, $0x7A6F, v3  }
0x56: {  	v10 =	vnsel vm0, $0x7A6F, v1;
	vm1 =	vlt.s32 v6, $0x7A6F;
	v2 =	vnsel vm2, $0x7A6F, v2  }
0x57: {  	s6 =	sadd.s32 $0xFFFFFF40, s3;
	s7 =	sadd.s32 $0xFFFFFFE0, s3;
	v4 =	vnsel vm3, $0x7A6F, v4;
	v5 =	vnsel vm4, $0x7A6F, v5;
	v7 =	vnsel vm5, $0x7A6F, v7  }
0x58: {  	s8 =	sadd.s32 $0xFFFFFF60, s3;
	s9 =	sadd.s32 $0xFFFFFF20, s3;
	v1 =	vadd.s32 s6, v0;
	v11 =	vadd.s32 s7, v0;
	vm0 =	vlt.s32 v9, $0x7A6F  }
0x59: {  	s31 =	simm.s32 $0x0;
	s6 =	sadd.s32 $0xFFFFFF80, s3;
	v12 =	vadd.s32 s8, v0;
	v14 =	vadd.s32 s9, v0;
	v6 =	vnsel vm1, $0x7A6F, v6  }
0x5a: {  	s7 =	sadd.s32 $0xFFFFFFC0, s3;
	vm1 =	vlt.s32 v8, $0x7A6F;
	v13 =	vadd.s32 s6, v0;
	vm2 =	vlt.s32 v1, $0x7A6F;
	v3 =	vld.idx.msk [tilespmem:v3+s31+$0x0], $0xffff  }
0x5b: {  	v16 =	vadd.s32 s7, v0;
	v8 =	vnsel vm1, $0x7A6F, v8;
	vm1 =	vlt.s32 v11, $0x7A6F;
	v17 =	vld.idx.msk [tilespmem:v2+s31+$0x0], $0xffff  }
0x5c: {  	s6 =	sadd.s32 $0xFFFFFFA0, s3;
	vm3 =	vlt.s32 v12, $0x7A6F;
	v11 =	vnsel vm1, $0x7A6F, v11;
	vm1 =	vlt.s32 v14, $0x7A6F;
	v4 =	vld.idx.msk [tilespmem:v4+s31+$0x0], $0xffff  }
0x5d: {  	v15 =	vadd.s32 s6, v0;
	vm12 =	vlt.s32 v13, $0x7A6F;
	v14 =	vnsel vm1, $0x7A6F, v14;
	v5 =	vld.idx.msk [tilespmem:v5+s31+$0x0], $0xffff  }
0x5e: {  	v18 =	vnsel vm2, $0x7A6F, v1;
	v12 =	vnsel vm3, $0x7A6F, v12;
	s6 =	sadd.s32 $0x100, s3;
	vm13 =	vlt.s32 v15, $0x7A6F;
	v6 =	vld.idx.msk [tilespmem:v6+s31+$0x0], $0xffff  }
0x5f: {  	s4 =	simm.s32 $0xB840;
	v19 =	vnsel vm12, $0x7A6F, v13;
	v1 =	vadd.s32 s6, v0;
	s9 =	sadd.s32 $0xFFFFFF60, s6;
	s7 =	sadd.s32 $0xFFFFFF80, s6;
	v20 =	vnsel vm13, $0x7A6F, v15;
	v7 =	vld.idx.msk [tilespmem:v7+s31+$0x0], $0xffff  }
0x60: {  	s8 =	sadd.s32 $0xFFFFFFE0, s6;
	s5 =	sadd.s32 $0xFFFFFF20, s6;
	vm1 =	vlt.s32 v16, $0x7A6F;
	v23 =	vadd.s32 s9, v0;
	v24 =	vadd.s32 s7, v0;
	v22 =	vld.idx.msk [tilespmem:v8+s31+$0x0], $0xffff;
	[tilespmem:s4+$0x20] =	vst v3  }
0x61: {  	s9 =	sadd.s32 $0xFFFFFFC0, s6;
	v13 =	vadd.s32 s5, v0;
	v2 =	vnsel vm1, $0x7A6F, v16;
	v21 =	vld.idx.msk [tilespmem:v11+s31+$0x0], $0xffff;
	v11 =	vadd.s32 s8, v0;
	[tilespmem:s4+$0xFFFFFFD0] =	vst v17  }
0x62: {  	v16 =	vadd.s32 s9, v0;
	vm3 =	vlt.s32 v23, $0x7A6F;
	vm1 =	vlt.s32 v11, $0x7A6F;
	v8 =	vld.idx.msk [tilespmem:v14+s31+$0x0], $0xffff;
	[tilespmem:s4+$0xFFFFFFE0] =	vst v4  }
0x63: {  	s3 =	sadd.s32 $0xFFFFFF40, s6;
	vm14 =	vlt.s32 v24, $0x7A6F;
	s8 =	sadd.s32 $0xFFFFFFA0, s6;
	v3 =	vnsel vm0, $0x7A6F, v9;
	v15 =	vnsel vm1, $0x7A6F, v11;
	[tilespmem:s4+$0xFFFFFFC0] =	vst v6;
	v6 =	vld.idx.msk [tilespmem:v10+s31+$0x0], $0xffff  }
0x64: {  	v14 =	vld.idx.msk [tilespmem:v20+s31+$0x0], $0xffff;
	v9 =	vadd.s32 s3, v0;
	vm0 =	vlt.s32 v1, $0x7A6F;
	v17 =	vadd.s32 s8, v0;
	[tilespmem:s4+$0xFFFFFFF0] =	vst v5  }
0x65: {  	vm1 =	vlt.s32 v13, $0x7A6F;
	[tilespmem:s4+$0x0] =	vst v7;
	v5 =	vnsel vm14, $0x7A6F, v24;
	vm2 =	vlt.s32 v9, $0x7A6F;
	v10 =	vld.idx.msk [tilespmem:v18+s31+$0x0], $0xffff  }
0x66: {  	v11 =	vld.idx.msk [tilespmem:v12+s31+$0x0], $0xffff;
	s3 =	simm.s32 $0xB8C0;
	vm15 =	vlt.s32 v17, $0x7A6F;
	v13 =	vnsel vm1, $0x7A6F, v13;
	vm1 =	vlt.s32 v16, $0x7A6F;
	[tilespmem:s4+$0x10] =	vst v22  }
0x67: {  	s5 =	simm.s32 $0x10;
	s7 =	simm.s32 $0x0;
	s6 =	sadd.s32 $0x100, s6;
	v12 =	vld.idx.msk [tilespmem:v19+s31+$0x0], $0xffff;
	v7 =	vnsel vm2, $0x7A6F, v9;
	v9 =	vnsel vm3, $0x7A6F, v23;
	v4 =	vnsel vm15, $0x7A6F, v17;
	[tilespmem:s3+$0x20] =	vst v21  }
.LBB2_6:
0x68: {  	s8 =	sadd.s32 $0xFFFFFF40, s6;
	s9 =	sadd.s32 $0xFFFFFFE0, s6;
	s5 =	sadd.s32 $0x8, s5;
	v16 =	vnsel vm1, $0x7A6F, v16;
	v17 =	vld.idx.msk [tilespmem:v15+s31+$0x0], $0xffff;
	v15 =	vnsel vm0, $0x7A6F, v1;
	v1 =	vadd.s32 s6, v0;
	[tilespmem:s4+$0x30] =	vst v6  }
0x69: {  	s4 =	sadd.s32 $0xFFFFFF60, s6;
	v18 =	vadd.s32 s8, v0;
	s8 =	sadd.s32 $0xFFFFFF80, s6;
	v19 =	vadd.s32 s9, v0;
	vm0 =	vlt.s32 v1, $0x7A6F;
	p0 =	slt.u32 s5, $0x3C8;
	[tilespmem:s3+$0xFFFFFFC0] =	vst v8;
	v20 =	vld.idx.msk [tilespmem:v2+s7+$0x0], $0xffff;
	v2 =	vmovc v16  }
0x6a: {  	s9 =	sadd.s32 $0xFFFFFF20, s6;
	v21 =	vadd.s32 s4, v0;
	s4 =	sadd.s32 $0xFFFFFFA0, s6;
	v22 =	vadd.s32 s8, v0;
	s8 =	sadd.s32 $0xFFFFFFC0, s6;
	vm1 =	vlt.s32 v19, $0x7A6F;
	[tilespmem:s3+$0xFFFFFFD0] =	vst v10;
	v6 =	vld.idx.msk [tilespmem:v3+s7+$0x0], $0xffff;
	v3 =	vmovc v15  }
.Ltmp2:
0x6b: {  	v23 =	vadd.s32 s9, v0;
	v24 =	vadd.s32 s4, v0;
	s4 =	smov.u32 s3;
	s7 =	smov.u32 s31;
	v15 =	vnsel vm1, $0x7A6F, v19;
	v8 =	vld.idx.msk [tilespmem:v13+s31+$0x0], $0xffff;
	[tilespmem:s3+$0xFFFFFFE0] =	vst v11;
	(pc) =	sbr.rel @p0 .LBB2_6-.Ltmp2, $4  }
0x6c: {  	vm2 =	vlt.s32 v18, $0x7A6F;
	vm1 =	vlt.s32 v23, $0x7A6F;
	v16 =	vadd.s32 s8, v0;
	v10 =	vld.idx.msk [tilespmem:v7+s7+$0x0], $0xffff;
	[tilespmem:s3+$0xFFFFFFF0] =	vst v12  }
0x6d: {  	vm3 =	vlt.s32 v21, $0x7A6F;
	vm4 =	vlt.s32 v22, $0x7A6F;
	vm5 =	vlt.s32 v24, $0x7A6F;
	s3 =	sadd.s32 $0x80, s3;
	v11 =	vld.idx.msk [tilespmem:v9+s7+$0x0], $0xffff;
	[tilespmem:s4+$0x0] =	vst v14  }
0x6e: {  	v13 =	vnsel vm1, $0x7A6F, v23;
	v7 =	vnsel vm2, $0x7A6F, v18;
	vm1 =	vlt.s32 v16, $0x7A6F;
	v12 =	vld.idx.msk [tilespmem:v5+s7+$0x0], $0xffff;
	[tilespmem:s3+$0x20] =	vst v17  }
0x6f: {  	s6 =	sadd.s32 $0x100, s6;
	v9 =	vnsel vm3, $0x7A6F, v21;
	v5 =	vnsel vm4, $0x7A6F, v22;
	v14 =	vld.idx.msk [tilespmem:v4+s7+$0x0], $0xffff;
	v4 =	vnsel vm5, $0x7A6F, v24;
	[tilespmem:s4+$0x10] =	vst v20  }
0x70: {  	_ =	sdelay $0x2  }
0x71: {  	[tilespmem:s4+$0x30] =	vst v6  }
0x72: {  	v61 =	vld.idx.msk [tilespmem:v15+s31+$0x0], $0xffff;
	[tilespmem:s3+$0xFFFFFFC0] =	vst v8  }
0x73: {  	v2 =	vld.idx.msk [tilespmem:v2+s7+$0x0], $0xffff;
	[tilespmem:s3+$0xFFFFFFD0] =	vst v10  }
0x74: {  	v3 =	vld.idx.msk [tilespmem:v3+s7+$0x0], $0xffff;
	[tilespmem:s3+$0xFFFFFFE0] =	vst v11  }
0x75: {  	v62 =	vnsel vm1, $0x7A6F, v16;
	v63 =	vld.idx.msk [tilespmem:v13+s31+$0x0], $0xffff;
	[tilespmem:s3+$0xFFFFFFF0] =	vst v12  }
0x76: {  	v1 =	vnsel vm0, $0x7A6F, v1;
	v7 =	vld.idx.msk [tilespmem:v7+s31+$0x0], $0xffff;
	s9 =	sadd.s32 $0x80, s3;
	[tilespmem:s3+$0x0] =	vst v14  }
0x77: {  	v9 =	vld.idx.msk [tilespmem:v9+s31+$0x0], $0xffff;
	[tilespmem:s9+$0x20] =	vst v61  }
0x78: {  	v5 =	vld.idx.msk [tilespmem:v5+s31+$0x0], $0xffff;
	[tilespmem:s3+$0x10] =	vst v2  }
0x79: {  	v2 =	vld.idx.msk [tilespmem:v4+s31+$0x0], $0xffff;
	[tilespmem:s3+$0x30] =	vst v3  }
0x7a: {  	[tilespmem:s9+$0xFFFFFFC0] =	vst v63;
	v3 =	vld.idx.msk [tilespmem:v62+s31+$0x0], $0xffff  }
0x7b: {  	[tilespmem:s9+$0xFFFFFFD0] =	vst v7;
	v1 =	vld.idx.msk [tilespmem:v1+s31+$0x0], $0xffff  }
0x7c: {  	[tilespmem:s9+$0xFFFFFFE0] =	vst v9  }
0x7d: {  	[tilespmem:s9+$0xFFFFFFF0] =	vst v5  }
0x7e: {  	[tilespmem:s9+$0x0] =	vst v2  }
0x7f: {  	[tilespmem:s9+$0x10] =	vst v3  }
0x80: {  	s3 =	smov.u32 s24;
	[tilespmem:s9+$0x30] =	vst v1  }
.LBB2_8:
0x81: {  	v1 =	vadd.s32 s3, v0  }
0x82: {  	vm0 =	vlt.s32 v1, $0x7A6F  }
0x83: {  	v1 =	vnsel vm0, $0x7A6F, v1;
	_ =	sdelay $0x4  }
0x84: {  	p0 =	sne.s32 s31, $0x80;
	v1 =	vld.idx.msk [tilespmem:v1+s2+$0x0], $0xffff  }
.Ltmp3:
0x85: {  	_ = 	snop;
	(pc) =	sbr.rel @p0 .LBB2_8-.Ltmp3, $3  }
0x86: {  	_ =	sdelay $0x1  }
0x87: {  	s4 =	sshra.s32 s31, $0x2  }
0x88: {  	s3 =	sadd.s32 $0x20, s3;
	s31 =	sadd.s32 $0x40, s31;
	[tilespmem:s4+$0xF500] =	vst v1  }
0x89: {  	s3 =	sadd.s32 $0xFFFFFF40, s25;
	s4 =	sadd.s32 $0xFFFFFFE0, s25;
	v1 =	vadd.s32 s25, v0  }
0x8a: {  	s6 =	sadd.s32 $0xFFFFFF60, s25;
	s5 =	sadd.s32 $0xFFFFFF80, s25;
	s7 =	sadd.s32 $0xFFFFFF20, s25;
	v2 =	vadd.s32 s3, v0;
	v3 =	vadd.s32 s4, v0;
	vm0 =	vlt.s32 v1, $0x7A6F  }
0x8b: {  	s8 =	sadd.s32 $0xFFFFFFA0, s25;
	s9 =	sadd.s32 $0xFFFFFFC0, s25;
	v4 =	vadd.s32 s6, v0;
	v5 =	vadd.s32 s5, v0;
	v6 =	vadd.s32 s7, v0  }
0x8c: {  	v7 =	vadd.s32 s8, v0;
	v8 =	vadd.s32 s9, v0;
	vm1 =	vlt.s32 v3, $0x7A6F  }
0x8d: {  	s3 =	sadd.s32 $0x100, s25;
	vm2 =	vlt.s32 v2, $0x7A6F;
	vm3 =	vlt.s32 v4, $0x7A6F;
	vm4 =	vlt.s32 v5, $0x7A6F  }
0x8e: {  	vm5 =	vlt.s32 v7, $0x7A6F;
	v9 =	vadd.s32 s3, v0;
	v3 =	vnsel vm1, $0x7A6F, v3  }
0x8f: {  	v10 =	vnsel vm0, $0x7A6F, v1;
	vm1 =	vlt.s32 v6, $0x7A6F;
	v2 =	vnsel vm2, $0x7A6F, v2  }
0x90: {  	s6 =	sadd.s32 $0xFFFFFF40, s3;
	s7 =	sadd.s32 $0xFFFFFFE0, s3;
	v4 =	vnsel vm3, $0x7A6F, v4;
	v5 =	vnsel vm4, $0x7A6F, v5;
	v7 =	vnsel vm5, $0x7A6F, v7  }
0x91: {  	s8 =	sadd.s32 $0xFFFFFF60, s3;
	s9 =	sadd.s32 $0xFFFFFF20, s3;
	v1 =	vadd.s32 s6, v0;
	v11 =	vadd.s32 s7, v0;
	vm0 =	vlt.s32 v9, $0x7A6F  }
0x92: {  	s31 =	simm.s32 $0x0;
	s6 =	sadd.s32 $0xFFFFFF80, s3;
	v12 =	vadd.s32 s8, v0;
	v14 =	vadd.s32 s9, v0;
	v6 =	vnsel vm1, $0x7A6F, v6  }
0x93: {  	s7 =	sadd.s32 $0xFFFFFFC0, s3;
	vm1 =	vlt.s32 v8, $0x7A6F;
	v13 =	vadd.s32 s6, v0;
	vm2 =	vlt.s32 v1, $0x7A6F;
	v3 =	vld.idx.msk [tilespmem:v3+s31+$0x0], $0xffff  }
0x94: {  	v16 =	vadd.s32 s7, v0;
	v8 =	vnsel vm1, $0x7A6F, v8;
	vm1 =	vlt.s32 v11, $0x7A6F;
	v17 =	vld.idx.msk [tilespmem:v2+s31+$0x0], $0xffff  }
0x95: {  	s6 =	sadd.s32 $0xFFFFFFA0, s3;
	vm3 =	vlt.s32 v12, $0x7A6F;
	v11 =	vnsel vm1, $0x7A6F, v11;
	vm1 =	vlt.s32 v14, $0x7A6F;
	v4 =	vld.idx.msk [tilespmem:v4+s31+$0x0], $0xffff  }
0x96: {  	v15 =	vadd.s32 s6, v0;
	vm12 =	vlt.s32 v13, $0x7A6F;
	v14 =	vnsel vm1, $0x7A6F, v14;
	v5 =	vld.idx.msk [tilespmem:v5+s31+$0x0], $0xffff  }
0x97: {  	v18 =	vnsel vm2, $0x7A6F, v1;
	v12 =	vnsel vm3, $0x7A6F, v12;
	s6 =	sadd.s32 $0x100, s3;
	vm13 =	vlt.s32 v15, $0x7A6F;
	v6 =	vld.idx.msk [tilespmem:v6+s31+$0x0], $0xffff  }
0x98: {  	s4 =	simm.s32 $0xF5C0;
	v19 =	vnsel vm12, $0x7A6F, v13;
	v1 =	vadd.s32 s6, v0;
	s9 =	sadd.s32 $0xFFFFFF60, s6;
	s7 =	sadd.s32 $0xFFFFFF80, s6;
	v20 =	vnsel vm13, $0x7A6F, v15;
	v7 =	vld.idx.msk [tilespmem:v7+s31+$0x0], $0xffff  }
0x99: {  	s8 =	sadd.s32 $0xFFFFFFE0, s6;
	s5 =	sadd.s32 $0xFFFFFF20, s6;
	vm1 =	vlt.s32 v16, $0x7A6F;
	v23 =	vadd.s32 s9, v0;
	v24 =	vadd.s32 s7, v0;
	v22 =	vld.idx.msk [tilespmem:v8+s31+$0x0], $0xffff;
	[tilespmem:s4+$0x20] =	vst v3  }
0x9a: {  	s9 =	sadd.s32 $0xFFFFFFC0, s6;
	v13 =	vadd.s32 s5, v0;
	v2 =	vnsel vm1, $0x7A6F, v16;
	v21 =	vld.idx.msk [tilespmem:v11+s31+$0x0], $0xffff;
	v11 =	vadd.s32 s8, v0;
	[tilespmem:s4+$0xFFFFFFD0] =	vst v17  }
0x9b: {  	v16 =	vadd.s32 s9, v0;
	vm3 =	vlt.s32 v23, $0x7A6F;
	vm1 =	vlt.s32 v11, $0x7A6F;
	v8 =	vld.idx.msk [tilespmem:v14+s31+$0x0], $0xffff;
	[tilespmem:s4+$0xFFFFFFE0] =	vst v4  }
0x9c: {  	s3 =	sadd.s32 $0xFFFFFF40, s6;
	vm14 =	vlt.s32 v24, $0x7A6F;
	s8 =	sadd.s32 $0xFFFFFFA0, s6;
	v3 =	vnsel vm0, $0x7A6F, v9;
	v15 =	vnsel vm1, $0x7A6F, v11;
	[tilespmem:s4+$0xFFFFFFC0] =	vst v6;
	v6 =	vld.idx.msk [tilespmem:v10+s31+$0x0], $0xffff  }
0x9d: {  	v14 =	vld.idx.msk [tilespmem:v20+s31+$0x0], $0xffff;
	v9 =	vadd.s32 s3, v0;
	vm0 =	vlt.s32 v1, $0x7A6F;
	v17 =	vadd.s32 s8, v0;
	[tilespmem:s4+$0xFFFFFFF0] =	vst v5  }
0x9e: {  	vm1 =	vlt.s32 v13, $0x7A6F;
	[tilespmem:s4+$0x0] =	vst v7;
	v5 =	vnsel vm14, $0x7A6F, v24;
	vm2 =	vlt.s32 v9, $0x7A6F;
	v10 =	vld.idx.msk [tilespmem:v18+s31+$0x0], $0xffff  }
0x9f: {  	v11 =	vld.idx.msk [tilespmem:v12+s31+$0x0], $0xffff;
	s3 =	simm.s32 $0xF640;
	vm15 =	vlt.s32 v17, $0x7A6F;
	v13 =	vnsel vm1, $0x7A6F, v13;
	vm1 =	vlt.s32 v16, $0x7A6F;
	[tilespmem:s4+$0x10] =	vst v22  }
0xa0: {  	s5 =	simm.s32 $0x10;
	s7 =	simm.s32 $0x0;
	s6 =	sadd.s32 $0x100, s6;
	v12 =	vld.idx.msk [tilespmem:v19+s31+$0x0], $0xffff;
	v7 =	vnsel vm2, $0x7A6F, v9;
	v9 =	vnsel vm3, $0x7A6F, v23;
	v4 =	vnsel vm15, $0x7A6F, v17;
	[tilespmem:s3+$0x20] =	vst v21  }
.LBB2_10:
0xa1: {  	s8 =	sadd.s32 $0xFFFFFF40, s6;
	s9 =	sadd.s32 $0xFFFFFFE0, s6;
	s5 =	sadd.s32 $0x8, s5;
	v16 =	vnsel vm1, $0x7A6F, v16;
	v17 =	vld.idx.msk [tilespmem:v15+s31+$0x0], $0xffff;
	v15 =	vnsel vm0, $0x7A6F, v1;
	v1 =	vadd.s32 s6, v0;
	[tilespmem:s4+$0x30] =	vst v6  }
0xa2: {  	s4 =	sadd.s32 $0xFFFFFF60, s6;
	v18 =	vadd.s32 s8, v0;
	s8 =	sadd.s32 $0xFFFFFF80, s6;
	v19 =	vadd.s32 s9, v0;
	vm0 =	vlt.s32 v1, $0x7A6F;
	p0 =	slt.u32 s5, $0x3C8;
	[tilespmem:s3+$0xFFFFFFC0] =	vst v8;
	v20 =	vld.idx.msk [tilespmem:v2+s7+$0x0], $0xffff;
	v2 =	vmovc v16  }
0xa3: {  	s9 =	sadd.s32 $0xFFFFFF20, s6;
	v21 =	vadd.s32 s4, v0;
	s4 =	sadd.s32 $0xFFFFFFA0, s6;
	v22 =	vadd.s32 s8, v0;
	s8 =	sadd.s32 $0xFFFFFFC0, s6;
	vm1 =	vlt.s32 v19, $0x7A6F;
	[tilespmem:s3+$0xFFFFFFD0] =	vst v10;
	v6 =	vld.idx.msk [tilespmem:v3+s7+$0x0], $0xffff;
	v3 =	vmovc v15  }
.Ltmp4:
0xa4: {  	v23 =	vadd.s32 s9, v0;
	v24 =	vadd.s32 s4, v0;
	s4 =	smov.u32 s3;
	s7 =	smov.u32 s31;
	v15 =	vnsel vm1, $0x7A6F, v19;
	v8 =	vld.idx.msk [tilespmem:v13+s31+$0x0], $0xffff;
	[tilespmem:s3+$0xFFFFFFE0] =	vst v11;
	(pc) =	sbr.rel @p0 .LBB2_10-.Ltmp4, $4  }
0xa5: {  	vm2 =	vlt.s32 v18, $0x7A6F;
	vm1 =	vlt.s32 v23, $0x7A6F;
	v16 =	vadd.s32 s8, v0;
	v10 =	vld.idx.msk [tilespmem:v7+s7+$0x0], $0xffff;
	[tilespmem:s3+$0xFFFFFFF0] =	vst v12  }
0xa6: {  	vm3 =	vlt.s32 v21, $0x7A6F;
	vm4 =	vlt.s32 v22, $0x7A6F;
	vm5 =	vlt.s32 v24, $0x7A6F;
	s3 =	sadd.s32 $0x80, s3;
	v11 =	vld.idx.msk [tilespmem:v9+s7+$0x0], $0xffff;
	[tilespmem:s4+$0x0] =	vst v14  }
0xa7: {  	v13 =	vnsel vm1, $0x7A6F, v23;
	v7 =	vnsel vm2, $0x7A6F, v18;
	vm1 =	vlt.s32 v16, $0x7A6F;
	v12 =	vld.idx.msk [tilespmem:v5+s7+$0x0], $0xffff;
	[tilespmem:s3+$0x20] =	vst v17  }
0xa8: {  	s6 =	sadd.s32 $0x100, s6;
	v9 =	vnsel vm3, $0x7A6F, v21;
	v5 =	vnsel vm4, $0x7A6F, v22;
	v14 =	vld.idx.msk [tilespmem:v4+s7+$0x0], $0xffff;
	v4 =	vnsel vm5, $0x7A6F, v24;
	[tilespmem:s4+$0x10] =	vst v20  }
0xa9: {  	_ =	sdelay $0x2  }
0xaa: {  	[tilespmem:s4+$0x30] =	vst v6  }
0xab: {  	v61 =	vld.idx.msk [tilespmem:v15+s31+$0x0], $0xffff;
	[tilespmem:s3+$0xFFFFFFC0] =	vst v8  }
0xac: {  	v2 =	vld.idx.msk [tilespmem:v2+s7+$0x0], $0xffff;
	[tilespmem:s3+$0xFFFFFFD0] =	vst v10  }
0xad: {  	v3 =	vld.idx.msk [tilespmem:v3+s7+$0x0], $0xffff;
	[tilespmem:s3+$0xFFFFFFE0] =	vst v11  }
0xae: {  	v62 =	vnsel vm1, $0x7A6F, v16;
	v63 =	vld.idx.msk [tilespmem:v13+s31+$0x0], $0xffff;
	[tilespmem:s3+$0xFFFFFFF0] =	vst v12  }
0xaf: {  	v1 =	vnsel vm0, $0x7A6F, v1;
	v7 =	vld.idx.msk [tilespmem:v7+s31+$0x0], $0xffff;
	s9 =	sadd.s32 $0x80, s3;
	[tilespmem:s3+$0x0] =	vst v14  }
0xb0: {  	v9 =	vld.idx.msk [tilespmem:v9+s31+$0x0], $0xffff;
	[tilespmem:s9+$0x20] =	vst v61  }
0xb1: {  	v5 =	vld.idx.msk [tilespmem:v5+s31+$0x0], $0xffff;
	[tilespmem:s3+$0x10] =	vst v2  }
0xb2: {  	v2 =	vld.idx.msk [tilespmem:v4+s31+$0x0], $0xffff;
	[tilespmem:s3+$0x30] =	vst v3  }
0xb3: {  	[tilespmem:s9+$0xFFFFFFC0] =	vst v63;
	v3 =	vld.idx.msk [tilespmem:v62+s31+$0x0], $0xffff  }
0xb4: {  	[tilespmem:s9+$0xFFFFFFD0] =	vst v7;
	v1 =	vld.idx.msk [tilespmem:v1+s31+$0x0], $0xffff  }
0xb5: {  	[tilespmem:s9+$0xFFFFFFE0] =	vst v9  }
0xb6: {  	[tilespmem:s9+$0xFFFFFFF0] =	vst v5  }
0xb7: {  	[tilespmem:s9+$0x0] =	vst v2  }
0xb8: {  	[tilespmem:s9+$0x10] =	vst v3  }
0xb9: {  	s3 =	smov.u32 s26;
	[tilespmem:s9+$0x30] =	vst v1  }
.LBB2_12:
0xba: {  	v1 =	vadd.s32 s3, v0  }
0xbb: {  	vm0 =	vlt.s32 v1, $0x7A6F  }
0xbc: {  	v1 =	vnsel vm0, $0x7A6F, v1;
	_ =	sdelay $0x4  }
0xbd: {  	p0 =	sne.s32 s31, $0x80;
	v1 =	vld.idx.msk [tilespmem:v1+s2+$0x0], $0xffff  }
.Ltmp5:
0xbe: {  	_ = 	snop;
	(pc) =	sbr.rel @p0 .LBB2_12-.Ltmp5, $3  }
0xbf: {  	_ =	sdelay $0x1  }
0xc0: {  	s4 =	sshra.s32 s31, $0x2  }
0xc1: {  	s3 =	sadd.s32 $0x20, s3;
	s31 =	sadd.s32 $0x40, s31;
	[tilespmem:s4+$0x13280] =	vst v1  }
0xc2: {  	s3 =	sadd.s32 $0xFFFFFF40, s28;
	s4 =	sadd.s32 $0xFFFFFFE0, s28;
	v1 =	vadd.s32 s28, v0  }
0xc3: {  	s6 =	sadd.s32 $0xFFFFFF60, s28;
	s5 =	sadd.s32 $0xFFFFFF80, s28;
	s7 =	sadd.s32 $0xFFFFFF20, s28;
	v2 =	vadd.s32 s3, v0;
	v3 =	vadd.s32 s4, v0;
	vm0 =	vlt.s32 v1, $0x7A6F  }
0xc4: {  	s8 =	sadd.s32 $0xFFFFFFA0, s28;
	s9 =	sadd.s32 $0xFFFFFFC0, s28;
	v4 =	vadd.s32 s6, v0;
	v5 =	vadd.s32 s5, v0;
	v6 =	vadd.s32 s7, v0  }
0xc5: {  	v7 =	vadd.s32 s8, v0;
	v8 =	vadd.s32 s9, v0;
	vm1 =	vlt.s32 v3, $0x7A6F  }
0xc6: {  	s3 =	sadd.s32 $0x100, s28;
	vm2 =	vlt.s32 v2, $0x7A6F;
	vm3 =	vlt.s32 v4, $0x7A6F;
	vm4 =	vlt.s32 v5, $0x7A6F  }
0xc7: {  	vm5 =	vlt.s32 v7, $0x7A6F;
	v9 =	vadd.s32 s3, v0;
	v3 =	vnsel vm1, $0x7A6F, v3  }
0xc8: {  	v10 =	vnsel vm0, $0x7A6F, v1;
	vm1 =	vlt.s32 v6, $0x7A6F;
	v2 =	vnsel vm2, $0x7A6F, v2  }
0xc9: {  	s6 =	sadd.s32 $0xFFFFFF40, s3;
	s7 =	sadd.s32 $0xFFFFFFE0, s3;
	v4 =	vnsel vm3, $0x7A6F, v4;
	v5 =	vnsel vm4, $0x7A6F, v5;
	v7 =	vnsel vm5, $0x7A6F, v7  }
0xca: {  	s8 =	sadd.s32 $0xFFFFFF60, s3;
	s9 =	sadd.s32 $0xFFFFFF20, s3;
	v1 =	vadd.s32 s6, v0;
	v11 =	vadd.s32 s7, v0;
	vm0 =	vlt.s32 v9, $0x7A6F  }
0xcb: {  	s31 =	simm.s32 $0x0;
	s6 =	sadd.s32 $0xFFFFFF80, s3;
	v12 =	vadd.s32 s8, v0;
	v14 =	vadd.s32 s9, v0;
	v6 =	vnsel vm1, $0x7A6F, v6  }
0xcc: {  	s7 =	sadd.s32 $0xFFFFFFC0, s3;
	vm1 =	vlt.s32 v8, $0x7A6F;
	v13 =	vadd.s32 s6, v0;
	vm2 =	vlt.s32 v1, $0x7A6F;
	v3 =	vld.idx.msk [tilespmem:v3+s31+$0x0], $0xffff  }
0xcd: {  	v16 =	vadd.s32 s7, v0;
	v8 =	vnsel vm1, $0x7A6F, v8;
	vm1 =	vlt.s32 v11, $0x7A6F;
	v17 =	vld.idx.msk [tilespmem:v2+s31+$0x0], $0xffff  }
0xce: {  	s6 =	sadd.s32 $0xFFFFFFA0, s3;
	vm3 =	vlt.s32 v12, $0x7A6F;
	v11 =	vnsel vm1, $0x7A6F, v11;
	vm1 =	vlt.s32 v14, $0x7A6F;
	v4 =	vld.idx.msk [tilespmem:v4+s31+$0x0], $0xffff  }
0xcf: {  	v15 =	vadd.s32 s6, v0;
	vm12 =	vlt.s32 v13, $0x7A6F;
	v14 =	vnsel vm1, $0x7A6F, v14;
	v5 =	vld.idx.msk [tilespmem:v5+s31+$0x0], $0xffff  }
0xd0: {  	v18 =	vnsel vm2, $0x7A6F, v1;
	v12 =	vnsel vm3, $0x7A6F, v12;
	s6 =	sadd.s32 $0x100, s3;
	vm13 =	vlt.s32 v15, $0x7A6F;
	v6 =	vld.idx.msk [tilespmem:v6+s31+$0x0], $0xffff  }
0xd1: {  	s4 =	simm.s32 $0x13340;
	v19 =	vnsel vm12, $0x7A6F, v13;
	v1 =	vadd.s32 s6, v0;
	s9 =	sadd.s32 $0xFFFFFF60, s6;
	s7 =	sadd.s32 $0xFFFFFF80, s6;
	v20 =	vnsel vm13, $0x7A6F, v15;
	v7 =	vld.idx.msk [tilespmem:v7+s31+$0x0], $0xffff  }
0xd2: {  	s8 =	sadd.s32 $0xFFFFFFE0, s6;
	s5 =	sadd.s32 $0xFFFFFF20, s6;
	vm1 =	vlt.s32 v16, $0x7A6F;
	v23 =	vadd.s32 s9, v0;
	v24 =	vadd.s32 s7, v0;
	v22 =	vld.idx.msk [tilespmem:v8+s31+$0x0], $0xffff;
	[tilespmem:s4+$0x20] =	vst v3  }
0xd3: {  	s9 =	sadd.s32 $0xFFFFFFC0, s6;
	v13 =	vadd.s32 s5, v0;
	v2 =	vnsel vm1, $0x7A6F, v16;
	v21 =	vld.idx.msk [tilespmem:v11+s31+$0x0], $0xffff;
	v11 =	vadd.s32 s8, v0;
	[tilespmem:s4+$0xFFFFFFD0] =	vst v17  }
0xd4: {  	v16 =	vadd.s32 s9, v0;
	vm3 =	vlt.s32 v23, $0x7A6F;
	vm1 =	vlt.s32 v11, $0x7A6F;
	v8 =	vld.idx.msk [tilespmem:v14+s31+$0x0], $0xffff;
	[tilespmem:s4+$0xFFFFFFE0] =	vst v4  }
0xd5: {  	s3 =	sadd.s32 $0xFFFFFF40, s6;
	vm14 =	vlt.s32 v24, $0x7A6F;
	s8 =	sadd.s32 $0xFFFFFFA0, s6;
	v3 =	vnsel vm0, $0x7A6F, v9;
	v15 =	vnsel vm1, $0x7A6F, v11;
	[tilespmem:s4+$0xFFFFFFC0] =	vst v6;
	v6 =	vld.idx.msk [tilespmem:v10+s31+$0x0], $0xffff  }
0xd6: {  	v14 =	vld.idx.msk [tilespmem:v20+s31+$0x0], $0xffff;
	v9 =	vadd.s32 s3, v0;
	vm0 =	vlt.s32 v1, $0x7A6F;
	v17 =	vadd.s32 s8, v0;
	[tilespmem:s4+$0xFFFFFFF0] =	vst v5  }
0xd7: {  	vm1 =	vlt.s32 v13, $0x7A6F;
	[tilespmem:s4+$0x0] =	vst v7;
	v5 =	vnsel vm14, $0x7A6F, v24;
	vm2 =	vlt.s32 v9, $0x7A6F;
	v10 =	vld.idx.msk [tilespmem:v18+s31+$0x0], $0xffff  }
0xd8: {  	v11 =	vld.idx.msk [tilespmem:v12+s31+$0x0], $0xffff;
	s3 =	simm.s32 $0x133C0;
	vm15 =	vlt.s32 v17, $0x7A6F;
	v13 =	vnsel vm1, $0x7A6F, v13;
	vm1 =	vlt.s32 v16, $0x7A6F;
	[tilespmem:s4+$0x10] =	vst v22  }
0xd9: {  	s5 =	simm.s32 $0x10;
	s7 =	simm.s32 $0x0;
	s6 =	sadd.s32 $0x100, s6;
	v12 =	vld.idx.msk [tilespmem:v19+s31+$0x0], $0xffff;
	v7 =	vnsel vm2, $0x7A6F, v9;
	v9 =	vnsel vm3, $0x7A6F, v23;
	v4 =	vnsel vm15, $0x7A6F, v17;
	[tilespmem:s3+$0x20] =	vst v21  }
.LBB2_14:
0xda: {  	s8 =	sadd.s32 $0xFFFFFF40, s6;
	s9 =	sadd.s32 $0xFFFFFFE0, s6;
	s5 =	sadd.s32 $0x8, s5;
	v16 =	vnsel vm1, $0x7A6F, v16;
	v17 =	vld.idx.msk [tilespmem:v15+s31+$0x0], $0xffff;
	v15 =	vnsel vm0, $0x7A6F, v1;
	v1 =	vadd.s32 s6, v0;
	[tilespmem:s4+$0x30] =	vst v6  }
0xdb: {  	s4 =	sadd.s32 $0xFFFFFF60, s6;
	v18 =	vadd.s32 s8, v0;
	s8 =	sadd.s32 $0xFFFFFF80, s6;
	v19 =	vadd.s32 s9, v0;
	vm0 =	vlt.s32 v1, $0x7A6F;
	p0 =	slt.u32 s5, $0x3C8;
	[tilespmem:s3+$0xFFFFFFC0] =	vst v8;
	v20 =	vld.idx.msk [tilespmem:v2+s7+$0x0], $0xffff;
	v2 =	vmovc v16  }
0xdc: {  	s9 =	sadd.s32 $0xFFFFFF20, s6;
	v21 =	vadd.s32 s4, v0;
	s4 =	sadd.s32 $0xFFFFFFA0, s6;
	v22 =	vadd.s32 s8, v0;
	s8 =	sadd.s32 $0xFFFFFFC0, s6;
	vm1 =	vlt.s32 v19, $0x7A6F;
	[tilespmem:s3+$0xFFFFFFD0] =	vst v10;
	v6 =	vld.idx.msk [tilespmem:v3+s7+$0x0], $0xffff;
	v3 =	vmovc v15  }
.Ltmp6:
0xdd: {  	v23 =	vadd.s32 s9, v0;
	v24 =	vadd.s32 s4, v0;
	s4 =	smov.u32 s3;
	s7 =	smov.u32 s31;
	v15 =	vnsel vm1, $0x7A6F, v19;
	v8 =	vld.idx.msk [tilespmem:v13+s31+$0x0], $0xffff;
	[tilespmem:s3+$0xFFFFFFE0] =	vst v11;
	(pc) =	sbr.rel @p0 .LBB2_14-.Ltmp6, $4  }
0xde: {  	vm2 =	vlt.s32 v18, $0x7A6F;
	vm1 =	vlt.s32 v23, $0x7A6F;
	v16 =	vadd.s32 s8, v0;
	v10 =	vld.idx.msk [tilespmem:v7+s7+$0x0], $0xffff;
	[tilespmem:s3+$0xFFFFFFF0] =	vst v12  }
0xdf: {  	vm3 =	vlt.s32 v21, $0x7A6F;
	vm4 =	vlt.s32 v22, $0x7A6F;
	vm5 =	vlt.s32 v24, $0x7A6F;
	s3 =	sadd.s32 $0x80, s3;
	v11 =	vld.idx.msk [tilespmem:v9+s7+$0x0], $0xffff;
	[tilespmem:s4+$0x0] =	vst v14  }
0xe0: {  	v13 =	vnsel vm1, $0x7A6F, v23;
	v7 =	vnsel vm2, $0x7A6F, v18;
	vm1 =	vlt.s32 v16, $0x7A6F;
	v12 =	vld.idx.msk [tilespmem:v5+s7+$0x0], $0xffff;
	[tilespmem:s3+$0x20] =	vst v17  }
0xe1: {  	s6 =	sadd.s32 $0x100, s6;
	v9 =	vnsel vm3, $0x7A6F, v21;
	v5 =	vnsel vm4, $0x7A6F, v22;
	v14 =	vld.idx.msk [tilespmem:v4+s7+$0x0], $0xffff;
	v4 =	vnsel vm5, $0x7A6F, v24;
	[tilespmem:s4+$0x10] =	vst v20  }
0xe2: {  	_ =	sdelay $0x2  }
0xe3: {  	[tilespmem:s4+$0x30] =	vst v6  }
0xe4: {  	v61 =	vld.idx.msk [tilespmem:v15+s31+$0x0], $0xffff;
	[tilespmem:s3+$0xFFFFFFC0] =	vst v8  }
0xe5: {  	v2 =	vld.idx.msk [tilespmem:v2+s7+$0x0], $0xffff;
	[tilespmem:s3+$0xFFFFFFD0] =	vst v10  }
0xe6: {  	v3 =	vld.idx.msk [tilespmem:v3+s7+$0x0], $0xffff;
	[tilespmem:s3+$0xFFFFFFE0] =	vst v11  }
0xe7: {  	v62 =	vnsel vm1, $0x7A6F, v16;
	v63 =	vld.idx.msk [tilespmem:v13+s31+$0x0], $0xffff;
	[tilespmem:s3+$0xFFFFFFF0] =	vst v12  }
0xe8: {  	v1 =	vnsel vm0, $0x7A6F, v1;
	v7 =	vld.idx.msk [tilespmem:v7+s31+$0x0], $0xffff;
	s9 =	sadd.s32 $0x80, s3;
	[tilespmem:s3+$0x0] =	vst v14  }
0xe9: {  	v9 =	vld.idx.msk [tilespmem:v9+s31+$0x0], $0xffff;
	[tilespmem:s9+$0x20] =	vst v61  }
0xea: {  	v5 =	vld.idx.msk [tilespmem:v5+s31+$0x0], $0xffff;
	[tilespmem:s3+$0x10] =	vst v2  }
0xeb: {  	v2 =	vld.idx.msk [tilespmem:v4+s31+$0x0], $0xffff;
	[tilespmem:s3+$0x30] =	vst v3  }
0xec: {  	[tilespmem:s9+$0xFFFFFFC0] =	vst v63;
	v3 =	vld.idx.msk [tilespmem:v62+s31+$0x0], $0xffff  }
0xed: {  	[tilespmem:s9+$0xFFFFFFD0] =	vst v7;
	v1 =	vld.idx.msk [tilespmem:v1+s31+$0x0], $0xffff  }
0xee: {  	[tilespmem:s9+$0xFFFFFFE0] =	vst v9  }
0xef: {  	[tilespmem:s9+$0xFFFFFFF0] =	vst v5  }
0xf0: {  	[tilespmem:s9+$0x0] =	vst v2  }
0xf1: {  	[tilespmem:s9+$0x10] =	vst v3  }
0xf2: {  	s3 =	smov.u32 s29;
	[tilespmem:s9+$0x30] =	vst v1  }
.LBB2_16:
0xf3: {  	v1 =	vadd.s32 s3, v0  }
0xf4: {  	vm0 =	vlt.s32 v1, $0x7A6F  }
0xf5: {  	v1 =	vnsel vm0, $0x7A6F, v1;
	_ =	sdelay $0x4  }
0xf6: {  	p0 =	sne.s32 s31, $0x80;
	v1 =	vld.idx.msk [tilespmem:v1+s2+$0x0], $0xffff  }
.Ltmp7:
0xf7: {  	_ = 	snop;
	(pc) =	sbr.rel @p0 .LBB2_16-.Ltmp7, $3  }
0xf8: {  	_ =	sdelay $0x1  }
0xf9: {  	s4 =	sshra.s32 s31, $0x2  }
0xfa: {  	s3 =	sadd.s32 $0x20, s3;
	s31 =	sadd.s32 $0x40, s31;
	[tilespmem:s4+$0x17000] =	vst v1  }
0xfb: {  	s3 =	rddreg [dreg:$0x4];
	s4 =	simm.s32 $0x7A80  }
0xfc: {  	[hbm4b:s3+s2] =	stream.linear.scatter [tilespmem:s4], [sflag:$0x2], $0x3D10, $0x38;
	[tilespmem:$0x17080] =	vst v63  }
0xfd: {  	s5 =	rddreg [dreg:$0x5];
	s6 =	simm.s32 $0xB800  }
0xfe: {  	[hbm4b:s5+s2] =	stream.linear.scatter [tilespmem:s6], [sflag:$0x2], $0x3D10, $0x38;
	[tilespmem:$0x17080] =	vst v63  }
0xff: {  	s7 =	rddreg [dreg:$0x6];
	s8 =	simm.s32 $0xF580  }
0x100: {  	[hbm4b:s7+s2] =	stream.linear.scatter [tilespmem:s8], [sflag:$0x2], $0x3D10, $0x38;
	[tilespmem:$0x17080] =	vst v63  }
0x101: {  	s9 =	rddreg [dreg:$0x7];
	s31 =	simm.s32 $0x13300  }
0x102: {  	[hbm4b:s9+s2] =	stream.linear.scatter [tilespmem:s31], [sflag:$0x2], $0x3D10, $0x38;
	[tilespmem:$0x17080] =	vst v63  }
0x103: {  	s4 =	rddreg [dreg:$0x8];
	s5 =	simm.s32 $0x7A88  }
0x104: {  	[hbm4b:s4+s2] =	stream.linear.scatter [tilespmem:s5], [sflag:$0x2], $0x3D10, $0x38;
	[tilespmem:$0x17080] =	vst v63  }
0x105: {  	s6 =	rddreg [dreg:$0x9];
	s7 =	simm.s32 $0xB808  }
0x106: {  	[hbm4b:s6+s2] =	stream.linear.scatter [tilespmem:s7], [sflag:$0x2], $0x3D10, $0x38;
	[tilespmem:$0x17080] =	vst v63  }
0x107: {  	s8 =	simm.s32 $0xF588  }
0x108: {  	[hbm4b:s10+s2] =	stream.linear.scatter [tilespmem:s8], [sflag:$0x2], $0x3D10, $0x38;
	[tilespmem:$0x17080] =	vst v63  }
0x109: {  	s9 =	simm.s32 $0x13308  }
0x10a: {  	[hbm4b:s11+s2] =	stream.linear.scatter [tilespmem:s9], [sflag:$0x2], $0x3D10, $0x38;
	[tilespmem:$0x17080] =	vst v63  }
0x10b: {  	s31 =	simm.s32 $0x7A90  }
0x10c: {  	[hbm4b:s12+s2] =	stream.linear.scatter [tilespmem:s31], [sflag:$0x2], $0x3D10, $0x38;
	[tilespmem:$0x17080] =	vst v63  }
0x10d: {  	s4 =	simm.s32 $0xB810  }
0x10e: {  	[hbm4b:s13+s2] =	stream.linear.scatter [tilespmem:s4], [sflag:$0x2], $0x3D10, $0x38;
	[tilespmem:$0x17080] =	vst v63  }
0x10f: {  	s5 =	simm.s32 $0xF590  }
0x110: {  	[hbm4b:s14+s2] =	stream.linear.scatter [tilespmem:s5], [sflag:$0x2], $0x3D10, $0x38;
	[tilespmem:$0x17080] =	vst v63  }
0x111: {  	s6 =	simm.s32 $0x13310  }
0x112: {  	[hbm4b:s15+s2] =	stream.linear.scatter [tilespmem:s6], [sflag:$0x2], $0x3D10, $0x38;
	[tilespmem:$0x17080] =	vst v63  }
0x113: {  	s7 =	simm.s32 $0x7A98  }
0x114: {  	[hbm4b:s16+s2] =	stream.linear.scatter [tilespmem:s7], [sflag:$0x2], $0x3D10, $0x38;
	[tilespmem:$0x17080] =	vst v63  }
0x115: {  	s8 =	simm.s32 $0xB818  }
0x116: {  	[hbm4b:s17+s2] =	stream.linear.scatter [tilespmem:s8], [sflag:$0x2], $0x3D10, $0x38;
	[tilespmem:$0x17080] =	vst v63  }
0x117: {  	s9 =	simm.s32 $0xF598  }
0x118: {  	[hbm4b:s18+s2] =	stream.linear.scatter [tilespmem:s9], [sflag:$0x2], $0x3D10, $0x38;
	[tilespmem:$0x17080] =	vst v63  }
0x119: {  	s31 =	simm.s32 $0x13318  }
0x11a: {  	[hbm4b:s19+s2] =	stream.linear.scatter [tilespmem:s31], [sflag:$0x2], $0x3D10, $0x38;
	[tilespmem:$0x17080] =	vst v63  }
0x11b: {  	_ =	swait.ge [sflag:s1], $0x3D10  }
0x11c: {  	[sflag:s1] =	ssyncset.done $0x0  }
0x11d: {  	[sflag:s1] =	ssyncadd.s32 $0xFFFFC2F0  }
0x11e: {  	_ =	swait.ge [sflag:s1], $0x3D10  }
0x11f: {  	[sflag:s1] =	ssyncset.done $0x0  }
0x120: {  	[sflag:s1] =	ssyncadd.s32 $0xFFFFC2F0  }
0x121: {  	_ =	swait.ge [sflag:s1], $0x3D10  }
0x122: {  	[sflag:s1] =	ssyncset.done $0x0  }
0x123: {  	[sflag:s1] =	ssyncadd.s32 $0xFFFFC2F0  }
0x124: {  	_ =	swait.ge [sflag:s1], $0x3D10  }
0x125: {  	[sflag:s1] =	ssyncset.done $0x0  }
0x126: {  	[sflag:s1] =	ssyncadd.s32 $0xFFFFC2F0  }
0x127: {  	_ =	swait.ge [sflag:s1], $0x3D10  }
0x128: {  	[sflag:s1] =	ssyncset.done $0x0  }
0x129: {  	[sflag:s1] =	ssyncadd.s32 $0xFFFFC2F0  }
0x12a: {  	_ =	swait.ge [sflag:s1], $0x3D10  }
0x12b: {  	[sflag:s1] =	ssyncset.done $0x0  }
0x12c: {  	[sflag:s1] =	ssyncadd.s32 $0xFFFFC2F0  }
0x12d: {  	_ =	swait.ge [sflag:s1], $0x3D10  }
0x12e: {  	[sflag:s1] =	ssyncset.done $0x0  }
0x12f: {  	[sflag:s1] =	ssyncadd.s32 $0xFFFFC2F0  }
0x130: {  	_ =	swait.ge [sflag:s1], $0x3D10  }
0x131: {  	[sflag:s1] =	ssyncset.done $0x0  }
0x132: {  	[sflag:s1] =	ssyncadd.s32 $0xFFFFC2F0  }
0x133: {  	_ =	swait.ge [sflag:s1], $0x3D10  }
0x134: {  	[sflag:s1] =	ssyncset.done $0x0  }
0x135: {  	[sflag:s1] =	ssyncadd.s32 $0xFFFFC2F0  }
0x136: {  	_ =	swait.ge [sflag:s1], $0x3D10  }
0x137: {  	[sflag:s1] =	ssyncset.done $0x0  }
0x138: {  	[sflag:s1] =	ssyncadd.s32 $0xFFFFC2F0  }
0x139: {  	_ =	swait.ge [sflag:s1], $0x3D10  }
0x13a: {  	[sflag:s1] =	ssyncset.done $0x0  }
0x13b: {  	[sflag:s1] =	ssyncadd.s32 $0xFFFFC2F0  }
0x13c: {  	_ =	swait.ge [sflag:s1], $0x3D10  }
0x13d: {  	[sflag:s1] =	ssyncset.done $0x0  }
0x13e: {  	[sflag:s1] =	ssyncadd.s32 $0xFFFFC2F0  }
0x13f: {  	_ =	swait.ge [sflag:s1], $0x3D10  }
0x140: {  	[sflag:s1] =	ssyncset.done $0x0  }
0x141: {  	[sflag:s1] =	ssyncadd.s32 $0xFFFFC2F0  }
0x142: {  	_ =	swait.ge [sflag:s1], $0x3D10  }
0x143: {  	[sflag:s1] =	ssyncset.done $0x0  }
0x144: {  	s0 =	sadd.s32 $0x1, s0;
	[sflag:s1] =	ssyncadd.s32 $0xFFFFC2F0  }
0x145: {  	p0 =	sne.s32 s0, s20;
	_ =	swait.ge [sflag:s1], $0x3D10  }
.Ltmp8:
0x146: {  	[sflag:s1] =	ssyncset.done $0x0;
	(pc) =	sbr.rel @p0 .LBB2_1-.Ltmp8, $4  }
0x147: {  	[sflag:s1] =	ssyncadd.s32 $0xFFFFC2F0  }
0x148: {  	_ =	swait.ge [sflag:s1], $0x3D10  }
0x149: {  	[sflag:s1] =	ssyncset.done $0x0  }
0x14a: {  	[sflag:s1] =	ssyncadd.s32 $0xFFFFC2F0  }
0x14b: {  	_ =	sfence.sel $0x180000  }
0x14c: {  	[bflag:$0x0] =	sbarrier.arrive $0xFFFF  }
0x14d: {  	_ =	strace $0x90000047  }
0x14e: {  	s0 =	stileid.u32;
	[bflag:$0x2] =	sbarrier.arrive $0xFFFF  }
0x14f: {  	p0 =	sne.s32 s0, $0x0;
	s0 =	rddreg [dreg:$0x2]  }
0x150: {  	s0 =	sadd.s32 @!p0 $0x100000, s0  }
0x151: {  	[sflag:s0] =	ssyncadd.tile.s32 @!p0 $0x1;
	_ =	shalt  }
.Lfunc_end2:
_tile_overlayer_lowered:
.L_overlay_start_2:
0x152: {  	(tag) =	ssettag $0x2  }
0x153: {  	s0 =	rddreg [dreg:$0x0];
	s2 =	stileid.u32  }
0x154: {  	s1 =	rddreg [dreg:$0x1];
	p0 =	sne.s32 s2, $0x0  }
0x155: {  	s3 =	rddreg [dreg:$0x2];
	[bflag:$0x3] =	sbarrier.arrive $0xFFFF;
	s2 =	simm.s32 @!p0 $0x1C03  }
0x156: {  	[timem:s3], [sflag:s2] =	dma.local @!p0 [hbm:s0], s1  }
0x157: {  	s0 =	simm.s32 @!p0 $0x3  }
0x158: {  	_ =	swait.ge @!p0 [sflag:s0], s1  }
0x159: {  	s1 =	ssub.s32 @!p0 $0x0, s1;
	[sflag:s0] =	ssyncset.done @!p0 $0x0  }
0x15a: {  	[sflag:s0] =	ssyncadd.s32 @!p0 s1  }
0x15b: {  	[bflag:$0x3] =	sbarrier.arrive $0xFFFF  }
0x15c: {  	_ =	shalt  }

</sc_bundles>
